<compile_context>
chip_gen: v7x
topology: tpu7x:2x2x1
jax: 0.10.2.dev20260603
libtpu: 0.0.44.dev20260713+nightly
codegen_flags: <defaults>
</compile_context>

<pallas_src>
import functools

import jax
import jax.numpy as jnp
import numpy as np
from jax import lax
from jax.experimental import pallas as pl
from jax.experimental.pallas import tpu as pltpu
from jax.experimental.pallas import tpu_sc as plsc

T = 32768
E = 64
K = 8
ONE_M_EPS2 = np.float32(0.98)
INV_ONE_M_EPS2 = np.float32(1.0 / 0.98)

NUM_CORES = 2
NUM_SUBCORES = 16
NW = NUM_CORES * NUM_SUBCORES
ROWS_PER_W = T // NW
GROUPS = ROWS_PER_W // 16
U = 16
NACC = 4

_NEG_INF = np.float32(-np.inf)
_ZERO = np.float32(0.0)
_ONE = np.float32(1.0)


def _loop(n, body, init):
  if n == 1:
    return body(0, init)
  return lax.fori_loop(0, n, body, init)


def _merge_max(va, ia, vb, ib):
  take_b = (vb > va) | ((vb == va) & (ib < ia))
  return jnp.where(take_b, vb, va), jnp.where(take_b, ib, ia)


def _router_body(logits_hbm, out_idx_hbm, out_val_hbm, l_v, oi_v, ov_v):
  wid = lax.axis_index("s") * NUM_CORES + lax.axis_index("c")
  rbase = wid * ROWS_PER_W
  lanes = jnp.arange(16, dtype=jnp.int32)

  pltpu.sync_copy(logits_hbm.at[:, pl.ds(rbase, ROWS_PER_W)], l_v)

  def group_body(g):
    g16 = g * 16
    rloc = g16 + lanes

    def init_body(t, carry):
      mvs, mis = carry
      mvs, mis = list(mvs), list(mis)
      e0 = t * U
      for u in range(U):
        a = u % NACC
        v = l_v[e0 + u, pl.ds(g16, 16)]
        gt = v > mvs[a]
        mvs[a] = jnp.where(gt, v, mvs[a])
        mis[a] = jnp.where(gt, jnp.full((16,), e0 + u, jnp.int32), mis[a])
      return tuple(mvs), tuple(mis)

    ninf16 = jnp.full((16,), _NEG_INF)
    zero16i = jnp.zeros((16,), jnp.int32)
    zero16f = jnp.zeros((16,), jnp.float32)
    mvs, mis = _loop(
        E // U, init_body,
        ((ninf16,) * NACC, (zero16i,) * NACC))
    mv, mi = mvs[0], mis[0]
    for a in range(1, NACC):
      mv, mi = _merge_max(mv, mi, mvs[a], mis[a])

    def topk_step(k, carry):
      mv, mi = carry
      plsc.store_scatter(l_v, [mi, rloc], ninf16)
      cut = jnp.where(mv >= _ZERO, ONE_M_EPS2 * mv, INV_ONE_M_EPS2 * mv)

      def fused_body(t, carry):
        dens, nmvs, nmis = carry
        dens, nmvs, nmis = list(dens), list(nmvs), list(nmis)
        e0 = t * U
        for u in range(U):
          a = u % NACC
          v = l_v[e0 + u, pl.ds(g16, 16)]
          ev = jnp.exp(v - mv)
          dens[a] = dens[a] + jnp.where(v >= cut, ev, _ZERO)
          gt = v > nmvs[a]
          nmvs[a] = jnp.where(gt, v, nmvs[a])
          nmis[a] = jnp.where(gt, jnp.full((16,), e0 + u, jnp.int32),
                              nmis[a])
        return tuple(dens), tuple(nmvs), tuple(nmis)

      dens, nmvs, nmis = _loop(
          E // U, fused_body,
          ((zero16f,) * NACC, (ninf16,) * NACC, (zero16i,) * NACC))
      den = (dens[0] + dens[1]) + (dens[2] + dens[3])
      nmv, nmi = nmvs[0], nmis[0]
      for a in range(1, NACC):
        nmv, nmi = _merge_max(nmv, nmi, nmvs[a], nmis[a])

      scale = _ONE / (den + _ONE)
      kvec = jnp.full((16,), k, jnp.int32)
      plsc.store_scatter(oi_v, [kvec, rloc], mi)
      plsc.store_scatter(ov_v, [kvec, rloc], scale)
      return nmv, nmi

    lax.fori_loop(0, K, topk_step, (mv, mi))

  plsc.parallel_loop(0, GROUPS)(group_body)
  pltpu.sync_copy(oi_v, out_idx_hbm.at[:, pl.ds(rbase, ROWS_PER_W)])
  pltpu.sync_copy(ov_v, out_val_hbm.at[:, pl.ds(rbase, ROWS_PER_W)])


@jax.jit
def _router(router_logits):
  mesh = plsc.VectorSubcoreMesh(
      core_axis_name="c", subcore_axis_name="s", num_cores=NUM_CORES)
  f = functools.partial(
      pl.kernel,
      mesh=mesh,
      compiler_params=pltpu.CompilerParams(needs_layout_passes=False),
      out_type=[
          jax.ShapeDtypeStruct((K, T), jnp.int32),
          jax.ShapeDtypeStruct((K, T), jnp.float32),
      ],
      scratch_types=[
          pltpu.VMEM((E, ROWS_PER_W), jnp.float32),
          pltpu.VMEM((K, ROWS_PER_W), jnp.int32),
          pltpu.VMEM((K, ROWS_PER_W), jnp.float32),
      ],
  )(_router_body)
  oi, ov = f(router_logits.T)
  return oi.T, ov.T


def kernel(router_logits):
  return _router(router_logits)

# --- scband reference (transcript-rebuilt; emitter-appended) ---
"""Pipeline reference for scband-sparse-mixer-moe-routing-method-10780367913596 (READ-ONLY COPY).

The authoritative reference and input builder live on the scoring server;
editing this copy changes nothing except your own understanding.
"""

import jax, jax.numpy as jnp
import numpy as np

TOP_K = 8
EPS = 0.01

def setup_inputs(seed: int = 0) -> dict:
    key = jax.random.key(seed)
    router_logits = jax.random.normal(key, (32768, 64), dtype=jnp.float32)
    return {"router_logits": router_logits}

def _forward(router_logits):
    logits = router_logits.astype(jnp.float32)
    T = logits.shape[0]
    rows = jnp.arange(T)
    topk_idx = []
    topk_vals = []
    for i in range(TOP_K):
        if i > 0:
            # remove previous iteration's max before finding the next one
            max_elem = jnp.argmax(logits, axis=-1)
            logits = logits.at[rows, max_elem].set(-jnp.inf)
        max_values = jnp.max(logits, axis=-1, keepdims=True)
        max_indices = jnp.argmax(logits, axis=-1)
        mask = (max_values - logits) / jnp.maximum(jnp.abs(logits), max_values) > 2 * EPS
        masked_logits = jnp.where(mask, -jnp.inf, logits)
        softmax_masked_logits = jax.nn.softmax(masked_logits, axis=-1)
        selected_values = jnp.take_along_axis(softmax_masked_logits, max_indices[:, None], axis=-1)
        topk_idx.append(max_indices.astype(jnp.int32))
        topk_vals.append(selected_values[:, 0])
    token_selected_experts = jnp.stack(topk_idx, axis=1)
    token_final_scales = jnp.stack(topk_vals, axis=1)
    return token_selected_experts, token_final_scales

def reference(router_logits):
    return _forward(router_logits)

if __name__ == "__main__":
    import jax
    _d = setup_inputs()
    print(jax.jit(kernel)(*tuple(_d.values())))

</pallas_src>

<mosaic_0001>
#map = affine_map<(d0, d1) -> (0, 0)>
module attributes {stable_mosaic.version = 14 : i64} {
  func.func @_router_body(%arg0: i32, %arg1: i32, %arg2: memref<64x32768xf32, #tpu.memory_space<hbm>>, %arg3: memref<8x32768xi32, #tpu.memory_space<hbm>>, %arg4: memref<8x32768xf32, #tpu.memory_space<hbm>>, %arg5: memref<64x1024xf32, #tpu.memory_space<vmem>>, %arg6: memref<8x1024xi32, #tpu.memory_space<vmem>>, %arg7: memref<8x1024xf32, #tpu.memory_space<vmem>>) attributes {dimension_semantics = [#tpu.dimension_semantics<core_parallel>, #tpu.dimension_semantics<subcore_parallel>], iteration_bounds = array<i64: 2, 16>, scalar_prefetch = 0 : i64, scratch_operands = 3 : i64, tpu.core_type = #tpu.core_type<sc_vector_subcore>, window_params = [{transform_indices = #map}, {transform_indices = #map}, {transform_indices = #map}]} {
    %mul3A = arith.constant 2 : i32
    %mul3A_0 = arith.muli %arg1, %mul3A : i32
    %add3A = arith.addi %mul3A_0, %arg0 : i32
    %mul3A_1 = arith.constant 1024 : i32
    %mul3A_2 = arith.muli %add3A, %mul3A_1 : i32
    %iota3A = tpu.iota {dimensions = array<i32: 0>} : vector<16xi32>
    "tpu.region"() ({
      %run_scoped3A = tpu.sem_alloc : memref<!tpu.dma_semaphore, #tpu.memory_space<semaphore_mem>>
      %dma_start3A = arith.constant 0 : i32
      %dma_start3A_5 = tpu.memref_slice %arg2[%dma_start3A, %mul3A_2] : memref<64x32768xf32, #tpu.memory_space<hbm>> -> memref<64x1024xf32, #tpu.memory_space<hbm>>
      %dma_start3A_6 = arith.constant 0 : i32
      %dma_start3A_7 = tpu.memref_slice %arg2[%dma_start3A_6, %mul3A_2] : memref<64x32768xf32, #tpu.memory_space<hbm>> -> memref<64x1024xf32, #tpu.memory_space<hbm>>
      tpu.enqueue_dma source(%dma_start3A_7 : memref<64x1024xf32, #tpu.memory_space<hbm>>) target(%arg5 : memref<64x1024xf32, #tpu.memory_space<vmem>>) target_semaphore(%run_scoped3A : memref<!tpu.dma_semaphore, #tpu.memory_space<semaphore_mem>>)
      %dma_wait3A = arith.constant 0 : i32
      %dma_wait3A_8 = tpu.memref_slice %arg2[%dma_wait3A, %mul3A_2] : memref<64x32768xf32, #tpu.memory_space<hbm>> -> memref<64x1024xf32, #tpu.memory_space<hbm>>
      %dma_wait3A_9 = arith.constant 0 : i32
      %dma_wait3A_10 = tpu.memref_slice %arg2[%dma_wait3A_9, %mul3A_2] : memref<64x32768xf32, #tpu.memory_space<hbm>> -> memref<64x1024xf32, #tpu.memory_space<hbm>>
      tpu.wait_dma2 semaphore(%run_scoped3A : memref<!tpu.dma_semaphore, #tpu.memory_space<semaphore_mem>>) src(%dma_wait3A_10 : memref<64x1024xf32, #tpu.memory_space<hbm>>) dst(%arg5 : memref<64x1024xf32, #tpu.memory_space<vmem>>)
      tpu.yield
    }) : () -> ()
    %parallel_loop3A = arith.constant 0 : i32
    %parallel_loop3A_3 = arith.constant 64 : i32
    %parallel_loop3A_4 = arith.constant 1 : i32
    scf.for %parallel_loop3A_5 = %parallel_loop3A to %parallel_loop3A_3 step %parallel_loop3A_4  : i32 {
      %parallel_loop3A_6 = arith.constant 16 : i32
      %parallel_loop3A_7 = arith.muli %parallel_loop3A_5, %parallel_loop3A_6 : i32
      %parallel_loop3A_8 = vector.broadcast %parallel_loop3A_7 : i32 to vector<16xi32>
      %parallel_loop3A_9 = arith.addi %parallel_loop3A_8, %iota3A : vector<16xi32>
      %parallel_loop3A_10 = arith.constant 0xFF800000 : f32
      %parallel_loop3A_11 = vector.broadcast %parallel_loop3A_10 : f32 to vector<16xf32>
      %parallel_loop3A_12 = arith.constant 0 : i32
      %parallel_loop3A_13 = vector.broadcast %parallel_loop3A_12 : i32 to vector<16xi32>
      %parallel_loop3A_14 = arith.constant 0.000000e+00 : f32
      %parallel_loop3A_15 = vector.broadcast %parallel_loop3A_14 : f32 to vector<16xf32>
      %parallel_loop3A_16 = arith.constant 0 : i32
      %parallel_loop3A_17 = arith.constant 4 : i32
      %parallel_loop3A_18 = arith.addi %parallel_loop3A_16, %parallel_loop3A_17 : i32
      %parallel_loop3A_19 = arith.constant 1 : i32
      %parallel_loop3A_20:8 = scf.for %scan3A = %parallel_loop3A_16 to %parallel_loop3A_18 step %parallel_loop3A_19 iter_args(%scan3A_49 = %parallel_loop3A_11, %scan3A_50 = %parallel_loop3A_11, %scan3A_51 = %parallel_loop3A_11, %scan3A_52 = %parallel_loop3A_11, %scan3A_53 = %parallel_loop3A_13, %scan3A_54 = %parallel_loop3A_13, %scan3A_55 = %parallel_loop3A_13, %scan3A_56 = %parallel_loop3A_13) -> (vector<16xf32>, vector<16xf32>, vector<16xf32>, vector<16xf32>, vector<16xi32>, vector<16xi32>, vector<16xi32>, vector<16xi32>)  : i32 {
        %parallel_loop3A_57 = arith.constant 16 : i32
        %parallel_loop3A_58 = arith.muli %scan3A, %parallel_loop3A_57 : i32
        %parallel_loop3A_59 = arith.constant 0 : i32
        %parallel_loop3A_60 = arith.addi %parallel_loop3A_58, %parallel_loop3A_59 : i32
        %parallel_loop3A_61 = arith.index_cast %parallel_loop3A_60 : i32 to index
        %parallel_loop3A_62 = arith.index_cast %parallel_loop3A_7 : i32 to index
        %parallel_loop3A_63 = tpu.vector_load %arg5[%parallel_loop3A_61, %parallel_loop3A_62] {strides = array<i32>} : memref<64x1024xf32, #tpu.memory_space<vmem>>, vector<16xf32>,
        %parallel_loop3A_64 = arith.cmpf ogt, %parallel_loop3A_63, %scan3A_49 : vector<16xf32>
        %parallel_loop3A_65 = arith.select %parallel_loop3A_64, %parallel_loop3A_63, %scan3A_49 : vector<16xi1>, vector<16xf32>
        %parallel_loop3A_66 = arith.constant 0 : i32
        %parallel_loop3A_67 = arith.addi %parallel_loop3A_58, %parallel_loop3A_66 : i32
        %parallel_loop3A_68 = vector.broadcast %parallel_loop3A_67 : i32 to vector<16xi32>
        %parallel_loop3A_69 = arith.select %parallel_loop3A_64, %parallel_loop3A_68, %scan3A_53 : vector<16xi1>, vector<16xi32>
        %parallel_loop3A_70 = arith.constant 1 : i32
        %parallel_loop3A_71 = arith.addi %parallel_loop3A_58, %parallel_loop3A_70 : i32
        %parallel_loop3A_72 = arith.index_cast %parallel_loop3A_71 : i32 to index
        %parallel_loop3A_73 = arith.index_cast %parallel_loop3A_7 : i32 to index
        %parallel_loop3A_74 = tpu.vector_load %arg5[%parallel_loop3A_72, %parallel_loop3A_73] {strides = array<i32>} : memref<64x1024xf32, #tpu.memory_space<vmem>>, vector<16xf32>,
        %parallel_loop3A_75 = arith.cmpf ogt, %parallel_loop3A_74, %scan3A_50 : vector<16xf32>
        %parallel_loop3A_76 = arith.select %parallel_loop3A_75, %parallel_loop3A_74, %scan3A_50 : vector<16xi1>, vector<16xf32>
        %parallel_loop3A_77 = arith.constant 1 : i32
        %parallel_loop3A_78 = arith.addi %parallel_loop3A_58, %parallel_loop3A_77 : i32
        %parallel_loop3A_79 = vector.broadcast %parallel_loop3A_78 : i32 to vector<16xi32>
        %parallel_loop3A_80 = arith.select %parallel_loop3A_75, %parallel_loop3A_79, %scan3A_54 : vector<16xi1>, vector<16xi32>
        %parallel_loop3A_81 = arith.constant 2 : i32
        %parallel_loop3A_82 = arith.addi %parallel_loop3A_58, %parallel_loop3A_81 : i32
        %parallel_loop3A_83 = arith.index_cast %parallel_loop3A_82 : i32 to index
        %parallel_loop3A_84 = arith.index_cast %parallel_loop3A_7 : i32 to index
        %parallel_loop3A_85 = tpu.vector_load %arg5[%parallel_loop3A_83, %parallel_loop3A_84] {strides = array<i32>} : memref<64x1024xf32, #tpu.memory_space<vmem>>, vector<16xf32>,
        %parallel_loop3A_86 = arith.cmpf ogt, %parallel_loop3A_85, %scan3A_51 : vector<16xf32>
        %parallel_loop3A_87 = arith.select %parallel_loop3A_86, %parallel_loop3A_85, %scan3A_51 : vector<16xi1>, vector<16xf32>
        %parallel_loop3A_88 = arith.constant 2 : i32
        %parallel_loop3A_89 = arith.addi %parallel_loop3A_58, %parallel_loop3A_88 : i32
        %parallel_loop3A_90 = vector.broadcast %parallel_loop3A_89 : i32 to vector<16xi32>
        %parallel_loop3A_91 = arith.select %parallel_loop3A_86, %parallel_loop3A_90, %scan3A_55 : vector<16xi1>, vector<16xi32>
        %parallel_loop3A_92 = arith.constant 3 : i32
        %parallel_loop3A_93 = arith.addi %parallel_loop3A_58, %parallel_loop3A_92 : i32
        %parallel_loop3A_94 = arith.index_cast %parallel_loop3A_93 : i32 to index
        %parallel_loop3A_95 = arith.index_cast %parallel_loop3A_7 : i32 to index
        %parallel_loop3A_96 = tpu.vector_load %arg5[%parallel_loop3A_94, %parallel_loop3A_95] {strides = array<i32>} : memref<64x1024xf32, #tpu.memory_space<vmem>>, vector<16xf32>,
        %parallel_loop3A_97 = arith.cmpf ogt, %parallel_loop3A_96, %scan3A_52 : vector<16xf32>
        %parallel_loop3A_98 = arith.select %parallel_loop3A_97, %parallel_loop3A_96, %scan3A_52 : vector<16xi1>, vector<16xf32>
        %parallel_loop3A_99 = arith.constant 3 : i32
        %parallel_loop3A_100 = arith.addi %parallel_loop3A_58, %parallel_loop3A_99 : i32
        %parallel_loop3A_101 = vector.broadcast %parallel_loop3A_100 : i32 to vector<16xi32>
        %parallel_loop3A_102 = arith.select %parallel_loop3A_97, %parallel_loop3A_101, %scan3A_56 : vector<16xi1>, vector<16xi32>
        %parallel_loop3A_103 = arith.constant 4 : i32
        %parallel_loop3A_104 = arith.addi %parallel_loop3A_58, %parallel_loop3A_103 : i32
        %parallel_loop3A_105 = arith.index_cast %parallel_loop3A_104 : i32 to index
        %parallel_loop3A_106 = arith.index_cast %parallel_loop3A_7 : i32 to index
        %parallel_loop3A_107 = tpu.vector_load %arg5[%parallel_loop3A_105, %parallel_loop3A_106] {strides = array<i32>} : memref<64x1024xf32, #tpu.memory_space<vmem>>, vector<16xf32>,
        %parallel_loop3A_108 = arith.cmpf ogt, %parallel_loop3A_107, %parallel_loop3A_65 : vector<16xf32>
        %parallel_loop3A_109 = arith.select %parallel_loop3A_108, %parallel_loop3A_107, %parallel_loop3A_65 : vector<16xi1>, vector<16xf32>
        %parallel_loop3A_110 = arith.constant 4 : i32
        %parallel_loop3A_111 = arith.addi %parallel_loop3A_58, %parallel_loop3A_110 : i32
        %parallel_loop3A_112 = vector.broadcast %parallel_loop3A_111 : i32 to vector<16xi32>
        %parallel_loop3A_113 = arith.select %parallel_loop3A_108, %parallel_loop3A_112, %parallel_loop3A_69 : vector<16xi1>, vector<16xi32>
        %parallel_loop3A_114 = arith.constant 5 : i32
        %parallel_loop3A_115 = arith.addi %parallel_loop3A_58, %parallel_loop3A_114 : i32
        %parallel_loop3A_116 = arith.index_cast %parallel_loop3A_115 : i32 to index
        %parallel_loop3A_117 = arith.index_cast %parallel_loop3A_7 : i32 to index
        %parallel_loop3A_118 = tpu.vector_load %arg5[%parallel_loop3A_116, %parallel_loop3A_117] {strides = array<i32>} : memref<64x1024xf32, #tpu.memory_space<vmem>>, vector<16xf32>,
        %parallel_loop3A_119 = arith.cmpf ogt, %parallel_loop3A_118, %parallel_loop3A_76 : vector<16xf32>
        %parallel_loop3A_120 = arith.select %parallel_loop3A_119, %parallel_loop3A_118, %parallel_loop3A_76 : vector<16xi1>, vector<16xf32>
        %parallel_loop3A_121 = arith.constant 5 : i32
        %parallel_loop3A_122 = arith.addi %parallel_loop3A_58, %parallel_loop3A_121 : i32
        %parallel_loop3A_123 = vector.broadcast %parallel_loop3A_122 : i32 to vector<16xi32>
        %parallel_loop3A_124 = arith.select %parallel_loop3A_119, %parallel_loop3A_123, %parallel_loop3A_80 : vector<16xi1>, vector<16xi32>
        %parallel_loop3A_125 = arith.constant 6 : i32
        %parallel_loop3A_126 = arith.addi %parallel_loop3A_58, %parallel_loop3A_125 : i32
        %parallel_loop3A_127 = arith.index_cast %parallel_loop3A_126 : i32 to index
        %parallel_loop3A_128 = arith.index_cast %parallel_loop3A_7 : i32 to index
        %parallel_loop3A_129 = tpu.vector_load %arg5[%parallel_loop3A_127, %parallel_loop3A_128] {strides = array<i32>} : memref<64x1024xf32, #tpu.memory_space<vmem>>, vector<16xf32>,
        %parallel_loop3A_130 = arith.cmpf ogt, %parallel_loop3A_129, %parallel_loop3A_87 : vector<16xf32>
        %parallel_loop3A_131 = arith.select %parallel_loop3A_130, %parallel_loop3A_129, %parallel_loop3A_87 : vector<16xi1>, vector<16xf32>
        %parallel_loop3A_132 = arith.constant 6 : i32
        %parallel_loop3A_133 = arith.addi %parallel_loop3A_58, %parallel_loop3A_132 : i32
        %parallel_loop3A_134 = vector.broadcast %parallel_loop3A_133 : i32 to vector<16xi32>
        %parallel_loop3A_135 = arith.select %parallel_loop3A_130, %parallel_loop3A_134, %parallel_loop3A_91 : vector<16xi1>, vector<16xi32>
        %parallel_loop3A_136 = arith.constant 7 : i32
        %parallel_loop3A_137 = arith.addi %parallel_loop3A_58, %parallel_loop3A_136 : i32
        %parallel_loop3A_138 = arith.index_cast %parallel_loop3A_137 : i32 to index
        %parallel_loop3A_139 = arith.index_cast %parallel_loop3A_7 : i32 to index
        %parallel_loop3A_140 = tpu.vector_load %arg5[%parallel_loop3A_138, %parallel_loop3A_139] {strides = array<i32>} : memref<64x1024xf32, #tpu.memory_space<vmem>>, vector<16xf32>,
        %parallel_loop3A_141 = arith.cmpf ogt, %parallel_loop3A_140, %parallel_loop3A_98 : vector<16xf32>
        %parallel_loop3A_142 = arith.select %parallel_loop3A_141, %parallel_loop3A_140, %parallel_loop3A_98 : vector<16xi1>, vector<16xf32>
        %parallel_loop3A_143 = arith.constant 7 : i32
        %parallel_loop3A_144 = arith.addi %parallel_loop3A_58, %parallel_loop3A_143 : i32
        %parallel_loop3A_145 = vector.broadcast %parallel_loop3A_144 : i32 to vector<16xi32>
        %parallel_loop3A_146 = arith.select %parallel_loop3A_141, %parallel_loop3A_145, %parallel_loop3A_102 : vector<16xi1>, vector<16xi32>
        %parallel_loop3A_147 = arith.constant 8 : i32
        %parallel_loop3A_148 = arith.addi %parallel_loop3A_58, %parallel_loop3A_147 : i32
        %parallel_loop3A_149 = arith.index_cast %parallel_loop3A_148 : i32 to index
        %parallel_loop3A_150 = arith.index_cast %parallel_loop3A_7 : i32 to index
        %parallel_loop3A_151 = tpu.vector_load %arg5[%parallel_loop3A_149, %parallel_loop3A_150] {strides = array<i32>} : memref<64x1024xf32, #tpu.memory_space<vmem>>, vector<16xf32>,
        %parallel_loop3A_152 = arith.cmpf ogt, %parallel_loop3A_151, %parallel_loop3A_109 : vector<16xf32>
        %parallel_loop3A_153 = arith.select %parallel_loop3A_152, %parallel_loop3A_151, %parallel_loop3A_109 : vector<16xi1>, vector<16xf32>
        %parallel_loop3A_154 = arith.constant 8 : i32
        %parallel_loop3A_155 = arith.addi %parallel_loop3A_58, %parallel_loop3A_154 : i32
        %parallel_loop3A_156 = vector.broadcast %parallel_loop3A_155 : i32 to vector<16xi32>
        %parallel_loop3A_157 = arith.select %parallel_loop3A_152, %parallel_loop3A_156, %parallel_loop3A_113 : vector<16xi1>, vector<16xi32>
        %parallel_loop3A_158 = arith.constant 9 : i32
        %parallel_loop3A_159 = arith.addi %parallel_loop3A_58, %parallel_loop3A_158 : i32
        %parallel_loop3A_160 = arith.index_cast %parallel_loop3A_159 : i32 to index
        %parallel_loop3A_161 = arith.index_cast %parallel_loop3A_7 : i32 to index
        %parallel_loop3A_162 = tpu.vector_load %arg5[%parallel_loop3A_160, %parallel_loop3A_161] {strides = array<i32>} : memref<64x1024xf32, #tpu.memory_space<vmem>>, vector<16xf32>,
        %parallel_loop3A_163 = arith.cmpf ogt, %parallel_loop3A_162, %parallel_loop3A_120 : vector<16xf32>
        %parallel_loop3A_164 = arith.select %parallel_loop3A_163, %parallel_loop3A_162, %parallel_loop3A_120 : vector<16xi1>, vector<16xf32>
        %parallel_loop3A_165 = arith.constant 9 : i32
        %parallel_loop3A_166 = arith.addi %parallel_loop3A_58, %parallel_loop3A_165 : i32
        %parallel_loop3A_167 = vector.broadcast %parallel_loop3A_166 : i32 to vector<16xi32>
        %parallel_loop3A_168 = arith.select %parallel_loop3A_163, %parallel_loop3A_167, %parallel_loop3A_124 : vector<16xi1>, vector<16xi32>
        %parallel_loop3A_169 = arith.constant 10 : i32
        %parallel_loop3A_170 = arith.addi %parallel_loop3A_58, %parallel_loop3A_169 : i32
        %parallel_loop3A_171 = arith.index_cast %parallel_loop3A_170 : i32 to index
        %parallel_loop3A_172 = arith.index_cast %parallel_loop3A_7 : i32 to index
        %parallel_loop3A_173 = tpu.vector_load %arg5[%parallel_loop3A_171, %parallel_loop3A_172] {strides = array<i32>} : memref<64x1024xf32, #tpu.memory_space<vmem>>, vector<16xf32>,
        %parallel_loop3A_174 = arith.cmpf ogt, %parallel_loop3A_173, %parallel_loop3A_131 : vector<16xf32>
        %parallel_loop3A_175 = arith.select %parallel_loop3A_174, %parallel_loop3A_173, %parallel_loop3A_131 : vector<16xi1>, vector<16xf32>
        %parallel_loop3A_176 = arith.constant 10 : i32
        %parallel_loop3A_177 = arith.addi %parallel_loop3A_58, %parallel_loop3A_176 : i32
        %parallel_loop3A_178 = vector.broadcast %parallel_loop3A_177 : i32 to vector<16xi32>
        %parallel_loop3A_179 = arith.select %parallel_loop3A_174, %parallel_loop3A_178, %parallel_loop3A_135 : vector<16xi1>, vector<16xi32>
        %parallel_loop3A_180 = arith.constant 11 : i32
        %parallel_loop3A_181 = arith.addi %parallel_loop3A_58, %parallel_loop3A_180 : i32
        %parallel_loop3A_182 = arith.index_cast %parallel_loop3A_181 : i32 to index
        %parallel_loop3A_183 = arith.index_cast %parallel_loop3A_7 : i32 to index
        %parallel_loop3A_184 = tpu.vector_load %arg5[%parallel_loop3A_182, %parallel_loop3A_183] {strides = array<i32>} : memref<64x1024xf32, #tpu.memory_space<vmem>>, vector<16xf32>,
        %parallel_loop3A_185 = arith.cmpf ogt, %parallel_loop3A_184, %parallel_loop3A_142 : vector<16xf32>
        %parallel_loop3A_186 = arith.select %parallel_loop3A_185, %parallel_loop3A_184, %parallel_loop3A_142 : vector<16xi1>, vector<16xf32>
        %parallel_loop3A_187 = arith.constant 11 : i32
        %parallel_loop3A_188 = arith.addi %parallel_loop3A_58, %parallel_loop3A_187 : i32
        %parallel_loop3A_189 = vector.broadcast %parallel_loop3A_188 : i32 to vector<16xi32>
        %parallel_loop3A_190 = arith.select %parallel_loop3A_185, %parallel_loop3A_189, %parallel_loop3A_146 : vector<16xi1>, vector<16xi32>
        %parallel_loop3A_191 = arith.constant 12 : i32
        %parallel_loop3A_192 = arith.addi %parallel_loop3A_58, %parallel_loop3A_191 : i32
        %parallel_loop3A_193 = arith.index_cast %parallel_loop3A_192 : i32 to index
        %parallel_loop3A_194 = arith.index_cast %parallel_loop3A_7 : i32 to index
        %parallel_loop3A_195 = tpu.vector_load %arg5[%parallel_loop3A_193, %parallel_loop3A_194] {strides = array<i32>} : memref<64x1024xf32, #tpu.memory_space<vmem>>, vector<16xf32>,
        %parallel_loop3A_196 = arith.cmpf ogt, %parallel_loop3A_195, %parallel_loop3A_153 : vector<16xf32>
        %parallel_loop3A_197 = arith.select %parallel_loop3A_196, %parallel_loop3A_195, %parallel_loop3A_153 : vector<16xi1>, vector<16xf32>
        %parallel_loop3A_198 = arith.constant 12 : i32
        %parallel_loop3A_199 = arith.addi %parallel_loop3A_58, %parallel_loop3A_198 : i32
        %parallel_loop3A_200 = vector.broadcast %parallel_loop3A_199 : i32 to vector<16xi32>
        %parallel_loop3A_201 = arith.select %parallel_loop3A_196, %parallel_loop3A_200, %parallel_loop3A_157 : vector<16xi1>, vector<16xi32>
        %parallel_loop3A_202 = arith.constant 13 : i32
        %parallel_loop3A_203 = arith.addi %parallel_loop3A_58, %parallel_loop3A_202 : i32
        %parallel_loop3A_204 = arith.index_cast %parallel_loop3A_203 : i32 to index
        %parallel_loop3A_205 = arith.index_cast %parallel_loop3A_7 : i32 to index
        %parallel_loop3A_206 = tpu.vector_load %arg5[%parallel_loop3A_204, %parallel_loop3A_205] {strides = array<i32>} : memref<64x1024xf32, #tpu.memory_space<vmem>>, vector<16xf32>,
        %parallel_loop3A_207 = arith.cmpf ogt, %parallel_loop3A_206, %parallel_loop3A_164 : vector<16xf32>
        %parallel_loop3A_208 = arith.select %parallel_loop3A_207, %parallel_loop3A_206, %parallel_loop3A_164 : vector<16xi1>, vector<16xf32>
        %parallel_loop3A_209 = arith.constant 13 : i32
        %parallel_loop3A_210 = arith.addi %parallel_loop3A_58, %parallel_loop3A_209 : i32
        %parallel_loop3A_211 = vector.broadcast %parallel_loop3A_210 : i32 to vector<16xi32>
        %parallel_loop3A_212 = arith.select %parallel_loop3A_207, %parallel_loop3A_211, %parallel_loop3A_168 : vector<16xi1>, vector<16xi32>
        %parallel_loop3A_213 = arith.constant 14 : i32
        %parallel_loop3A_214 = arith.addi %parallel_loop3A_58, %parallel_loop3A_213 : i32
        %parallel_loop3A_215 = arith.index_cast %parallel_loop3A_214 : i32 to index
        %parallel_loop3A_216 = arith.index_cast %parallel_loop3A_7 : i32 to index
        %parallel_loop3A_217 = tpu.vector_load %arg5[%parallel_loop3A_215, %parallel_loop3A_216] {strides = array<i32>} : memref<64x1024xf32, #tpu.memory_space<vmem>>, vector<16xf32>,
        %parallel_loop3A_218 = arith.cmpf ogt, %parallel_loop3A_217, %parallel_loop3A_175 : vector<16xf32>
        %parallel_loop3A_219 = arith.select %parallel_loop3A_218, %parallel_loop3A_217, %parallel_loop3A_175 : vector<16xi1>, vector<16xf32>
        %parallel_loop3A_220 = arith.constant 14 : i32
        %parallel_loop3A_221 = arith.addi %parallel_loop3A_58, %parallel_loop3A_220 : i32
        %parallel_loop3A_222 = vector.broadcast %parallel_loop3A_221 : i32 to vector<16xi32>
        %parallel_loop3A_223 = arith.select %parallel_loop3A_218, %parallel_loop3A_222, %parallel_loop3A_179 : vector<16xi1>, vector<16xi32>
        %parallel_loop3A_224 = arith.constant 15 : i32
        %parallel_loop3A_225 = arith.addi %parallel_loop3A_58, %parallel_loop3A_224 : i32
        %parallel_loop3A_226 = arith.index_cast %parallel_loop3A_225 : i32 to index
        %parallel_loop3A_227 = arith.index_cast %parallel_loop3A_7 : i32 to index
        %parallel_loop3A_228 = tpu.vector_load %arg5[%parallel_loop3A_226, %parallel_loop3A_227] {strides = array<i32>} : memref<64x1024xf32, #tpu.memory_space<vmem>>, vector<16xf32>,
        %parallel_loop3A_229 = arith.cmpf ogt, %parallel_loop3A_228, %parallel_loop3A_186 : vector<16xf32>
        %parallel_loop3A_230 = arith.select %parallel_loop3A_229, %parallel_loop3A_228, %parallel_loop3A_186 : vector<16xi1>, vector<16xf32>
        %parallel_loop3A_231 = arith.constant 15 : i32
        %parallel_loop3A_232 = arith.addi %parallel_loop3A_58, %parallel_loop3A_231 : i32
        %parallel_loop3A_233 = vector.broadcast %parallel_loop3A_232 : i32 to vector<16xi32>
        %parallel_loop3A_234 = arith.select %parallel_loop3A_229, %parallel_loop3A_233, %parallel_loop3A_190 : vector<16xi1>, vector<16xi32>
        scf.yield %parallel_loop3A_197, %parallel_loop3A_208, %parallel_loop3A_219, %parallel_loop3A_230, %parallel_loop3A_201, %parallel_loop3A_212, %parallel_loop3A_223, %parallel_loop3A_234 : vector<16xf32>, vector<16xf32>, vector<16xf32>, vector<16xf32>, vector<16xi32>, vector<16xi32>, vector<16xi32>, vector<16xi32>
      }
      %parallel_loop3A_21 = arith.constant 4 : i32
      %parallel_loop3A_22 = arith.cmpf ogt, %parallel_loop3A_20#1, %parallel_loop3A_20#0 : vector<16xf32>
      %parallel_loop3A_23 = arith.cmpf oeq, %parallel_loop3A_20#1, %parallel_loop3A_20#0 : vector<16xf32>
      %parallel_loop3A_24 = arith.cmpi slt, %parallel_loop3A_20#5, %parallel_loop3A_20#4 : vector<16xi32>
      %parallel_loop3A_25 = arith.andi %parallel_loop3A_23, %parallel_loop3A_24 : vector<16xi1>
      %parallel_loop3A_26 = arith.ori %parallel_loop3A_22, %parallel_loop3A_25 : vector<16xi1>
      %parallel_loop3A_27 = arith.select %parallel_loop3A_26, %parallel_loop3A_20#1, %parallel_loop3A_20#0 : vector<16xi1>, vector<16xf32>
      %parallel_loop3A_28 = arith.select %parallel_loop3A_26, %parallel_loop3A_20#5, %parallel_loop3A_20#4 : vector<16xi1>, vector<16xi32>
      %parallel_loop3A_29 = arith.cmpf ogt, %parallel_loop3A_20#2, %parallel_loop3A_27 : vector<16xf32>
      %parallel_loop3A_30 = arith.cmpf oeq, %parallel_loop3A_20#2, %parallel_loop3A_27 : vector<16xf32>
      %parallel_loop3A_31 = arith.cmpi slt, %parallel_loop3A_20#6, %parallel_loop3A_28 : vector<16xi32>
      %parallel_loop3A_32 = arith.andi %parallel_loop3A_30, %parallel_loop3A_31 : vector<16xi1>
      %parallel_loop3A_33 = arith.ori %parallel_loop3A_29, %parallel_loop3A_32 : vector<16xi1>
      %parallel_loop3A_34 = arith.select %parallel_loop3A_33, %parallel_loop3A_20#2, %parallel_loop3A_27 : vector<16xi1>, vector<16xf32>
      %parallel_loop3A_35 = arith.select %parallel_loop3A_33, %parallel_loop3A_20#6, %parallel_loop3A_28 : vector<16xi1>, vector<16xi32>
      %parallel_loop3A_36 = arith.cmpf ogt, %parallel_loop3A_20#3, %parallel_loop3A_34 : vector<16xf32>
      %parallel_loop3A_37 = arith.cmpf oeq, %parallel_loop3A_20#3, %parallel_loop3A_34 : vector<16xf32>
      %parallel_loop3A_38 = arith.cmpi slt, %parallel_loop3A_20#7, %parallel_loop3A_35 : vector<16xi32>
      %parallel_loop3A_39 = arith.andi %parallel_loop3A_37, %parallel_loop3A_38 : vector<16xi1>
      %parallel_loop3A_40 = arith.ori %parallel_loop3A_36, %parallel_loop3A_39 : vector<16xi1>
      %parallel_loop3A_41 = arith.select %parallel_loop3A_40, %parallel_loop3A_20#3, %parallel_loop3A_34 : vector<16xi1>, vector<16xf32>
      %parallel_loop3A_42 = arith.select %parallel_loop3A_40, %parallel_loop3A_20#7, %parallel_loop3A_35 : vector<16xi1>, vector<16xi32>
      %parallel_loop3A_43 = arith.constant 0 : i32
      %parallel_loop3A_44 = arith.constant 8 : i32
      %parallel_loop3A_45 = arith.addi %parallel_loop3A_43, %parallel_loop3A_44 : i32
      %parallel_loop3A_46 = arith.constant 1 : i32
      %parallel_loop3A_47:2 = scf.for %scan3A = %parallel_loop3A_43 to %parallel_loop3A_45 step %parallel_loop3A_46 iter_args(%scan3A_49 = %parallel_loop3A_41, %scan3A_50 = %parallel_loop3A_42) -> (vector<16xf32>, vector<16xi32>)  : i32 {
        tpu.vector_store_idx %arg5[%scan3A_50, %parallel_loop3A_9], %parallel_loop3A_11 : memref<64x1024xf32, #tpu.memory_space<vmem>>[vector<16xi32>, vector<16xi32>], vector<16xf32>,
        %parallel_loop3A_51 = arith.constant 0.000000e+00 : f32
        %parallel_loop3A_52 = vector.broadcast %parallel_loop3A_51 : f32 to vector<16xf32>
        %parallel_loop3A_53 = arith.cmpf oge, %scan3A_49, %parallel_loop3A_52 : vector<16xf32>
        %parallel_loop3A_54 = arith.constant 9.800000e-01 : f32
        %parallel_loop3A_55 = vector.broadcast %parallel_loop3A_54 : f32 to vector<16xf32>
        %parallel_loop3A_56 = arith.mulf %parallel_loop3A_55, %scan3A_49 : vector<16xf32>
        %parallel_loop3A_57 = arith.constant 1.02040815 : f32
        %parallel_loop3A_58 = vector.broadcast %parallel_loop3A_57 : f32 to vector<16xf32>
        %parallel_loop3A_59 = arith.mulf %parallel_loop3A_58, %scan3A_49 : vector<16xf32>
        %parallel_loop3A_60 = arith.select %parallel_loop3A_53, %parallel_loop3A_56, %parallel_loop3A_59 : vector<16xi1>, vector<16xf32>
        %parallel_loop3A_61 = arith.constant 0 : i32
        %parallel_loop3A_62 = arith.constant 4 : i32
        %parallel_loop3A_63 = arith.addi %parallel_loop3A_61, %parallel_loop3A_62 : i32
        %parallel_loop3A_64 = arith.constant 1 : i32
        %parallel_loop3A_65:12 = scf.for %scan3A_98 = %parallel_loop3A_61 to %parallel_loop3A_63 step %parallel_loop3A_64 iter_args(%scan3A_99 = %parallel_loop3A_15, %scan3A_100 = %parallel_loop3A_15, %scan3A_101 = %parallel_loop3A_15, %scan3A_102 = %parallel_loop3A_15, %scan3A_103 = %parallel_loop3A_11, %scan3A_104 = %parallel_loop3A_11, %scan3A_105 = %parallel_loop3A_11, %scan3A_106 = %parallel_loop3A_11, %scan3A_107 = %parallel_loop3A_13, %scan3A_108 = %parallel_loop3A_13, %scan3A_109 = %parallel_loop3A_13, %scan3A_110 = %parallel_loop3A_13) -> (vector<16xf32>, vector<16xf32>, vector<16xf32>, vector<16xf32>, vector<16xf32>, vector<16xf32>, vector<16xf32>, vector<16xf32>, vector<16xi32>, vector<16xi32>, vector<16xi32>, vector<16xi32>)  : i32 {
          %parallel_loop3A_111 = arith.constant 16 : i32
          %parallel_loop3A_112 = arith.muli %scan3A_98, %parallel_loop3A_111 : i32
          %parallel_loop3A_113 = arith.constant 0 : i32
          %parallel_loop3A_114 = arith.addi %parallel_loop3A_112, %parallel_loop3A_113 : i32
          %parallel_loop3A_115 = arith.index_cast %parallel_loop3A_114 : i32 to index
          %parallel_loop3A_116 = arith.index_cast %parallel_loop3A_7 : i32 to index
          %parallel_loop3A_117 = tpu.vector_load %arg5[%parallel_loop3A_115, %parallel_loop3A_116] {strides = array<i32>} : memref<64x1024xf32, #tpu.memory_space<vmem>>, vector<16xf32>,
          %parallel_loop3A_118 = arith.subf %parallel_loop3A_117, %scan3A_49 : vector<16xf32>
          %parallel_loop3A_119 = math.exp %parallel_loop3A_118 : vector<16xf32>
          %parallel_loop3A_120 = arith.cmpf oge, %parallel_loop3A_117, %parallel_loop3A_60 : vector<16xf32>
          %parallel_loop3A_121 = arith.constant 0.000000e+00 : f32
          %parallel_loop3A_122 = vector.broadcast %parallel_loop3A_121 : f32 to vector<16xf32>
          %parallel_loop3A_123 = arith.select %parallel_loop3A_120, %parallel_loop3A_119, %parallel_loop3A_122 : vector<16xi1>, vector<16xf32>
          %parallel_loop3A_124 = arith.addf %scan3A_99, %parallel_loop3A_123 : vector<16xf32>
          %parallel_loop3A_125 = arith.cmpf ogt, %parallel_loop3A_117, %scan3A_103 : vector<16xf32>
          %parallel_loop3A_126 = arith.select %parallel_loop3A_125, %parallel_loop3A_117, %scan3A_103 : vector<16xi1>, vector<16xf32>
          %parallel_loop3A_127 = arith.constant 0 : i32
          %parallel_loop3A_128 = arith.addi %parallel_loop3A_112, %parallel_loop3A_127 : i32
          %parallel_loop3A_129 = vector.broadcast %parallel_loop3A_128 : i32 to vector<16xi32>
          %parallel_loop3A_130 = arith.select %parallel_loop3A_125, %parallel_loop3A_129, %scan3A_107 : vector<16xi1>, vector<16xi32>
          %parallel_loop3A_131 = arith.constant 1 : i32
          %parallel_loop3A_132 = arith.addi %parallel_loop3A_112, %parallel_loop3A_131 : i32
          %parallel_loop3A_133 = arith.index_cast %parallel_loop3A_132 : i32 to index
          %parallel_loop3A_134 = arith.index_cast %parallel_loop3A_7 : i32 to index
          %parallel_loop3A_135 = tpu.vector_load %arg5[%parallel_loop3A_133, %parallel_loop3A_134] {strides = array<i32>} : memref<64x1024xf32, #tpu.memory_space<vmem>>, vector<16xf32>,
          %parallel_loop3A_136 = arith.subf %parallel_loop3A_135, %scan3A_49 : vector<16xf32>
          %parallel_loop3A_137 = math.exp %parallel_loop3A_136 : vector<16xf32>
          %parallel_loop3A_138 = arith.cmpf oge, %parallel_loop3A_135, %parallel_loop3A_60 : vector<16xf32>
          %parallel_loop3A_139 = arith.constant 0.000000e+00 : f32
          %parallel_loop3A_140 = vector.broadcast %parallel_loop3A_139 : f32 to vector<16xf32>
          %parallel_loop3A_141 = arith.select %parallel_loop3A_138, %parallel_loop3A_137, %parallel_loop3A_140 : vector<16xi1>, vector<16xf32>
          %parallel_loop3A_142 = arith.addf %scan3A_100, %parallel_loop3A_141 : vector<16xf32>
          %parallel_loop3A_143 = arith.cmpf ogt, %parallel_loop3A_135, %scan3A_104 : vector<16xf32>
          %parallel_loop3A_144 = arith.select %parallel_loop3A_143, %parallel_loop3A_135, %scan3A_104 : vector<16xi1>, vector<16xf32>
          %parallel_loop3A_145 = arith.constant 1 : i32
          %parallel_loop3A_146 = arith.addi %parallel_loop3A_112, %parallel_loop3A_145 : i32
          %parallel_loop3A_147 = vector.broadcast %parallel_loop3A_146 : i32 to vector<16xi32>
          %parallel_loop3A_148 = arith.select %parallel_loop3A_143, %parallel_loop3A_147, %scan3A_108 : vector<16xi1>, vector<16xi32>
          %parallel_loop3A_149 = arith.constant 2 : i32
          %parallel_loop3A_150 = arith.addi %parallel_loop3A_112, %parallel_loop3A_149 : i32
          %parallel_loop3A_151 = arith.index_cast %parallel_loop3A_150 : i32 to index
          %parallel_loop3A_152 = arith.index_cast %parallel_loop3A_7 : i32 to index
          %parallel_loop3A_153 = tpu.vector_load %arg5[%parallel_loop3A_151, %parallel_loop3A_152] {strides = array<i32>} : memref<64x1024xf32, #tpu.memory_space<vmem>>, vector<16xf32>,
          %parallel_loop3A_154 = arith.subf %parallel_loop3A_153, %scan3A_49 : vector<16xf32>
          %parallel_loop3A_155 = math.exp %parallel_loop3A_154 : vector<16xf32>
          %parallel_loop3A_156 = arith.cmpf oge, %parallel_loop3A_153, %parallel_loop3A_60 : vector<16xf32>
          %parallel_loop3A_157 = arith.constant 0.000000e+00 : f32
          %parallel_loop3A_158 = vector.broadcast %parallel_loop3A_157 : f32 to vector<16xf32>
          %parallel_loop3A_159 = arith.select %parallel_loop3A_156, %parallel_loop3A_155, %parallel_loop3A_158 : vector<16xi1>, vector<16xf32>
          %parallel_loop3A_160 = arith.addf %scan3A_101, %parallel_loop3A_159 : vector<16xf32>
          %parallel_loop3A_161 = arith.cmpf ogt, %parallel_loop3A_153, %scan3A_105 : vector<16xf32>
          %parallel_loop3A_162 = arith.select %parallel_loop3A_161, %parallel_loop3A_153, %scan3A_105 : vector<16xi1>, vector<16xf32>
          %parallel_loop3A_163 = arith.constant 2 : i32
          %parallel_loop3A_164 = arith.addi %parallel_loop3A_112, %parallel_loop3A_163 : i32
          %parallel_loop3A_165 = vector.broadcast %parallel_loop3A_164 : i32 to vector<16xi32>
          %parallel_loop3A_166 = arith.select %parallel_loop3A_161, %parallel_loop3A_165, %scan3A_109 : vector<16xi1>, vector<16xi32>
          %parallel_loop3A_167 = arith.constant 3 : i32
          %parallel_loop3A_168 = arith.addi %parallel_loop3A_112, %parallel_loop3A_167 : i32
          %parallel_loop3A_169 = arith.index_cast %parallel_loop3A_168 : i32 to index
          %parallel_loop3A_170 = arith.index_cast %parallel_loop3A_7 : i32 to index
          %parallel_loop3A_171 = tpu.vector_load %arg5[%parallel_loop3A_169, %parallel_loop3A_170] {strides = array<i32>} : memref<64x1024xf32, #tpu.memory_space<vmem>>, vector<16xf32>,
          %parallel_loop3A_172 = arith.subf %parallel_loop3A_171, %scan3A_49 : vector<16xf32>
          %parallel_loop3A_173 = math.exp %parallel_loop3A_172 : vector<16xf32>
          %parallel_loop3A_174 = arith.cmpf oge, %parallel_loop3A_171, %parallel_loop3A_60 : vector<16xf32>
          %parallel_loop3A_175 = arith.constant 0.000000e+00 : f32
          %parallel_loop3A_176 = vector.broadcast %parallel_loop3A_175 : f32 to vector<16xf32>
          %parallel_loop3A_177 = arith.select %parallel_loop3A_174, %parallel_loop3A_173, %parallel_loop3A_176 : vector<16xi1>, vector<16xf32>
          %parallel_loop3A_178 = arith.addf %scan3A_102, %parallel_loop3A_177 : vector<16xf32>
          %parallel_loop3A_179 = arith.cmpf ogt, %parallel_loop3A_171, %scan3A_106 : vector<16xf32>
          %parallel_loop3A_180 = arith.select %parallel_loop3A_179, %parallel_loop3A_171, %scan3A_106 : vector<16xi1>, vector<16xf32>
          %parallel_loop3A_181 = arith.constant 3 : i32
          %parallel_loop3A_182 = arith.addi %parallel_loop3A_112, %parallel_loop3A_181 : i32
          %parallel_loop3A_183 = vector.broadcast %parallel_loop3A_182 : i32 to vector<16xi32>
          %parallel_loop3A_184 = arith.select %parallel_loop3A_179, %parallel_loop3A_183, %scan3A_110 : vector<16xi1>, vector<16xi32>
          %parallel_loop3A_185 = arith.constant 4 : i32
          %parallel_loop3A_186 = arith.addi %parallel_loop3A_112, %parallel_loop3A_185 : i32
          %parallel_loop3A_187 = arith.index_cast %parallel_loop3A_186 : i32 to index
          %parallel_loop3A_188 = arith.index_cast %parallel_loop3A_7 : i32 to index
          %parallel_loop3A_189 = tpu.vector_load %arg5[%parallel_loop3A_187, %parallel_loop3A_188] {strides = array<i32>} : memref<64x1024xf32, #tpu.memory_space<vmem>>, vector<16xf32>,
          %parallel_loop3A_190 = arith.subf %parallel_loop3A_189, %scan3A_49 : vector<16xf32>
          %parallel_loop3A_191 = math.exp %parallel_loop3A_190 : vector<16xf32>
          %parallel_loop3A_192 = arith.cmpf oge, %parallel_loop3A_189, %parallel_loop3A_60 : vector<16xf32>
          %parallel_loop3A_193 = arith.constant 0.000000e+00 : f32
          %parallel_loop3A_194 = vector.broadcast %parallel_loop3A_193 : f32 to vector<16xf32>
          %parallel_loop3A_195 = arith.select %parallel_loop3A_192, %parallel_loop3A_191, %parallel_loop3A_194 : vector<16xi1>, vector<16xf32>
          %parallel_loop3A_196 = arith.addf %parallel_loop3A_124, %parallel_loop3A_195 : vector<16xf32>
          %parallel_loop3A_197 = arith.cmpf ogt, %parallel_loop3A_189, %parallel_loop3A_126 : vector<16xf32>
          %parallel_loop3A_198 = arith.select %parallel_loop3A_197, %parallel_loop3A_189, %parallel_loop3A_126 : vector<16xi1>, vector<16xf32>
          %parallel_loop3A_199 = arith.constant 4 : i32
          %parallel_loop3A_200 = arith.addi %parallel_loop3A_112, %parallel_loop3A_199 : i32
          %parallel_loop3A_201 = vector.broadcast %parallel_loop3A_200 : i32 to vector<16xi32>
          %parallel_loop3A_202 = arith.select %parallel_loop3A_197, %parallel_loop3A_201, %parallel_loop3A_130 : vector<16xi1>, vector<16xi32>
          %parallel_loop3A_203 = arith.constant 5 : i32
          %parallel_loop3A_204 = arith.addi %parallel_loop3A_112, %parallel_loop3A_203 : i32
          %parallel_loop3A_205 = arith.index_cast %parallel_loop3A_204 : i32 to index
          %parallel_loop3A_206 = arith.index_cast %parallel_loop3A_7 : i32 to index
          %parallel_loop3A_207 = tpu.vector_load %arg5[%parallel_loop3A_205, %parallel_loop3A_206] {strides = array<i32>} : memref<64x1024xf32, #tpu.memory_space<vmem>>, vector<16xf32>,
          %parallel_loop3A_208 = arith.subf %parallel_loop3A_207, %scan3A_49 : vector<16xf32>
          %parallel_loop3A_209 = math.exp %parallel_loop3A_208 : vector<16xf32>
          %parallel_loop3A_210 = arith.cmpf oge, %parallel_loop3A_207, %parallel_loop3A_60 : vector<16xf32>
          %parallel_loop3A_211 = arith.constant 0.000000e+00 : f32
          %parallel_loop3A_212 = vector.broadcast %parallel_loop3A_211 : f32 to vector<16xf32>
          %parallel_loop3A_213 = arith.select %parallel_loop3A_210, %parallel_loop3A_209, %parallel_loop3A_212 : vector<16xi1>, vector<16xf32>
          %parallel_loop3A_214 = arith.addf %parallel_loop3A_142, %parallel_loop3A_213 : vector<16xf32>
          %parallel_loop3A_215 = arith.cmpf ogt, %parallel_loop3A_207, %parallel_loop3A_144 : vector<16xf32>
          %parallel_loop3A_216 = arith.select %parallel_loop3A_215, %parallel_loop3A_207, %parallel_loop3A_144 : vector<16xi1>, vector<16xf32>
          %parallel_loop3A_217 = arith.constant 5 : i32
          %parallel_loop3A_218 = arith.addi %parallel_loop3A_112, %parallel_loop3A_217 : i32
          %parallel_loop3A_219 = vector.broadcast %parallel_loop3A_218 : i32 to vector<16xi32>
          %parallel_loop3A_220 = arith.select %parallel_loop3A_215, %parallel_loop3A_219, %parallel_loop3A_148 : vector<16xi1>, vector<16xi32>
          %parallel_loop3A_221 = arith.constant 6 : i32
          %parallel_loop3A_222 = arith.addi %parallel_loop3A_112, %parallel_loop3A_221 : i32
          %parallel_loop3A_223 = arith.index_cast %parallel_loop3A_222 : i32 to index
          %parallel_loop3A_224 = arith.index_cast %parallel_loop3A_7 : i32 to index
          %parallel_loop3A_225 = tpu.vector_load %arg5[%parallel_loop3A_223, %parallel_loop3A_224] {strides = array<i32>} : memref<64x1024xf32, #tpu.memory_space<vmem>>, vector<16xf32>,
          %parallel_loop3A_226 = arith.subf %parallel_loop3A_225, %scan3A_49 : vector<16xf32>
          %parallel_loop3A_227 = math.exp %parallel_loop3A_226 : vector<16xf32>
          %parallel_loop3A_228 = arith.cmpf oge, %parallel_loop3A_225, %parallel_loop3A_60 : vector<16xf32>
          %parallel_loop3A_229 = arith.constant 0.000000e+00 : f32
          %parallel_loop3A_230 = vector.broadcast %parallel_loop3A_229 : f32 to vector<16xf32>
          %parallel_loop3A_231 = arith.select %parallel_loop3A_228, %parallel_loop3A_227, %parallel_loop3A_230 : vector<16xi1>, vector<16xf32>
          %parallel_loop3A_232 = arith.addf %parallel_loop3A_160, %parallel_loop3A_231 : vector<16xf32>
          %parallel_loop3A_233 = arith.cmpf ogt, %parallel_loop3A_225, %parallel_loop3A_162 : vector<16xf32>
          %parallel_loop3A_234 = arith.select %parallel_loop3A_233, %parallel_loop3A_225, %parallel_loop3A_162 : vector<16xi1>, vector<16xf32>
          %parallel_loop3A_235 = arith.constant 6 : i32
          %parallel_loop3A_236 = arith.addi %parallel_loop3A_112, %parallel_loop3A_235 : i32
          %parallel_loop3A_237 = vector.broadcast %parallel_loop3A_236 : i32 to vector<16xi32>
          %parallel_loop3A_238 = arith.select %parallel_loop3A_233, %parallel_loop3A_237, %parallel_loop3A_166 : vector<16xi1>, vector<16xi32>
          %parallel_loop3A_239 = arith.constant 7 : i32
          %parallel_loop3A_240 = arith.addi %parallel_loop3A_112, %parallel_loop3A_239 : i32
          %parallel_loop3A_241 = arith.index_cast %parallel_loop3A_240 : i32 to index
          %parallel_loop3A_242 = arith.index_cast %parallel_loop3A_7 : i32 to index
          %parallel_loop3A_243 = tpu.vector_load %arg5[%parallel_loop3A_241, %parallel_loop3A_242] {strides = array<i32>} : memref<64x1024xf32, #tpu.memory_space<vmem>>, vector<16xf32>,
          %parallel_loop3A_244 = arith.subf %parallel_loop3A_243, %scan3A_49 : vector<16xf32>
          %parallel_loop3A_245 = math.exp %parallel_loop3A_244 : vector<16xf32>
          %parallel_loop3A_246 = arith.cmpf oge, %parallel_loop3A_243, %parallel_loop3A_60 : vector<16xf32>
          %parallel_loop3A_247 = arith.constant 0.000000e+00 : f32
          %parallel_loop3A_248 = vector.broadcast %parallel_loop3A_247 : f32 to vector<16xf32>
          %parallel_loop3A_249 = arith.select %parallel_loop3A_246, %parallel_loop3A_245, %parallel_loop3A_248 : vector<16xi1>, vector<16xf32>
          %parallel_loop3A_250 = arith.addf %parallel_loop3A_178, %parallel_loop3A_249 : vector<16xf32>
          %parallel_loop3A_251 = arith.cmpf ogt, %parallel_loop3A_243, %parallel_loop3A_180 : vector<16xf32>
          %parallel_loop3A_252 = arith.select %parallel_loop3A_251, %parallel_loop3A_243, %parallel_loop3A_180 : vector<16xi1>, vector<16xf32>
          %parallel_loop3A_253 = arith.constant 7 : i32
          %parallel_loop3A_254 = arith.addi %parallel_loop3A_112, %parallel_loop3A_253 : i32
          %parallel_loop3A_255 = vector.broadcast %parallel_loop3A_254 : i32 to vector<16xi32>
          %parallel_loop3A_256 = arith.select %parallel_loop3A_251, %parallel_loop3A_255, %parallel_loop3A_184 : vector<16xi1>, vector<16xi32>
          %parallel_loop3A_257 = arith.constant 8 : i32
          %parallel_loop3A_258 = arith.addi %parallel_loop3A_112, %parallel_loop3A_257 : i32
          %parallel_loop3A_259 = arith.index_cast %parallel_loop3A_258 : i32 to index
          %parallel_loop3A_260 = arith.index_cast %parallel_loop3A_7 : i32 to index
          %parallel_loop3A_261 = tpu.vector_load %arg5[%parallel_loop3A_259, %parallel_loop3A_260] {strides = array<i32>} : memref<64x1024xf32, #tpu.memory_space<vmem>>, vector<16xf32>,
          %parallel_loop3A_262 = arith.subf %parallel_loop3A_261, %scan3A_49 : vector<16xf32>
          %parallel_loop3A_263 = math.exp %parallel_loop3A_262 : vector<16xf32>
          %parallel_loop3A_264 = arith.cmpf oge, %parallel_loop3A_261, %parallel_loop3A_60 : vector<16xf32>
          %parallel_loop3A_265 = arith.constant 0.000000e+00 : f32
          %parallel_loop3A_266 = vector.broadcast %parallel_loop3A_265 : f32 to vector<16xf32>
          %parallel_loop3A_267 = arith.select %parallel_loop3A_264, %parallel_loop3A_263, %parallel_loop3A_266 : vector<16xi1>, vector<16xf32>
          %parallel_loop3A_268 = arith.addf %parallel_loop3A_196, %parallel_loop3A_267 : vector<16xf32>
          %parallel_loop3A_269 = arith.cmpf ogt, %parallel_loop3A_261, %parallel_loop3A_198 : vector<16xf32>
          %parallel_loop3A_270 = arith.select %parallel_loop3A_269, %parallel_loop3A_261, %parallel_loop3A_198 : vector<16xi1>, vector<16xf32>
          %parallel_loop3A_271 = arith.constant 8 : i32
          %parallel_loop3A_272 = arith.addi %parallel_loop3A_112, %parallel_loop3A_271 : i32
          %parallel_loop3A_273 = vector.broadcast %parallel_loop3A_272 : i32 to vector<16xi32>
          %parallel_loop3A_274 = arith.select %parallel_loop3A_269, %parallel_loop3A_273, %parallel_loop3A_202 : vector<16xi1>, vector<16xi32>
          %parallel_loop3A_275 = arith.constant 9 : i32
          %parallel_loop3A_276 = arith.addi %parallel_loop3A_112, %parallel_loop3A_275 : i32
          %parallel_loop3A_277 = arith.index_cast %parallel_loop3A_276 : i32 to index
          %parallel_loop3A_278 = arith.index_cast %parallel_loop3A_7 : i32 to index
          %parallel_loop3A_279 = tpu.vector_load %arg5[%parallel_loop3A_277, %parallel_loop3A_278] {strides = array<i32>} : memref<64x1024xf32, #tpu.memory_space<vmem>>, vector<16xf32>,
          %parallel_loop3A_280 = arith.subf %parallel_loop3A_279, %scan3A_49 : vector<16xf32>
          %parallel_loop3A_281 = math.exp %parallel_loop3A_280 : vector<16xf32>
          %parallel_loop3A_282 = arith.cmpf oge, %parallel_loop3A_279, %parallel_loop3A_60 : vector<16xf32>
          %parallel_loop3A_283 = arith.constant 0.000000e+00 : f32
          %parallel_loop3A_284 = vector.broadcast %parallel_loop3A_283 : f32 to vector<16xf32>
          %parallel_loop3A_285 = arith.select %parallel_loop3A_282, %parallel_loop3A_281, %parallel_loop3A_284 : vector<16xi1>, vector<16xf32>
          %parallel_loop3A_286 = arith.addf %parallel_loop3A_214, %parallel_loop3A_285 : vector<16xf32>
          %parallel_loop3A_287 = arith.cmpf ogt, %parallel_loop3A_279, %parallel_loop3A_216 : vector<16xf32>
          %parallel_loop3A_288 = arith.select %parallel_loop3A_287, %parallel_loop3A_279, %parallel_loop3A_216 : vector<16xi1>, vector<16xf32>
          %parallel_loop3A_289 = arith.constant 9 : i32
          %parallel_loop3A_290 = arith.addi %parallel_loop3A_112, %parallel_loop3A_289 : i32
          %parallel_loop3A_291 = vector.broadcast %parallel_loop3A_290 : i32 to vector<16xi32>
          %parallel_loop3A_292 = arith.select %parallel_loop3A_287, %parallel_loop3A_291, %parallel_loop3A_220 : vector<16xi1>, vector<16xi32>
          %parallel_loop3A_293 = arith.constant 10 : i32
          %parallel_loop3A_294 = arith.addi %parallel_loop3A_112, %parallel_loop3A_293 : i32
          %parallel_loop3A_295 = arith.index_cast %parallel_loop3A_294 : i32 to index
          %parallel_loop3A_296 = arith.index_cast %parallel_loop3A_7 : i32 to index
          %parallel_loop3A_297 = tpu.vector_load %arg5[%parallel_loop3A_295, %parallel_loop3A_296] {strides = array<i32>} : memref<64x1024xf32, #tpu.memory_space<vmem>>, vector<16xf32>,
          %parallel_loop3A_298 = arith.subf %parallel_loop3A_297, %scan3A_49 : vector<16xf32>
          %parallel_loop3A_299 = math.exp %parallel_loop3A_298 : vector<16xf32>
          %parallel_loop3A_300 = arith.cmpf oge, %parallel_loop3A_297, %parallel_loop3A_60 : vector<16xf32>
          %parallel_loop3A_301 = arith.constant 0.000000e+00 : f32
          %parallel_loop3A_302 = vector.broadcast %parallel_loop3A_301 : f32 to vector<16xf32>
          %parallel_loop3A_303 = arith.select %parallel_loop3A_300, %parallel_loop3A_299, %parallel_loop3A_302 : vector<16xi1>, vector<16xf32>
          %parallel_loop3A_304 = arith.addf %parallel_loop3A_232, %parallel_loop3A_303 : vector<16xf32>
          %parallel_loop3A_305 = arith.cmpf ogt, %parallel_loop3A_297, %parallel_loop3A_234 : vector<16xf32>
          %parallel_loop3A_306 = arith.select %parallel_loop3A_305, %parallel_loop3A_297, %parallel_loop3A_234 : vector<16xi1>, vector<16xf32>
          %parallel_loop3A_307 = arith.constant 10 : i32
          %parallel_loop3A_308 = arith.addi %parallel_loop3A_112, %parallel_loop3A_307 : i32
          %parallel_loop3A_309 = vector.broadcast %parallel_loop3A_308 : i32 to vector<16xi32>
          %parallel_loop3A_310 = arith.select %parallel_loop3A_305, %parallel_loop3A_309, %parallel_loop3A_238 : vector<16xi1>, vector<16xi32>
          %parallel_loop3A_311 = arith.constant 11 : i32
          %parallel_loop3A_312 = arith.addi %parallel_loop3A_112, %parallel_loop3A_311 : i32
          %parallel_loop3A_313 = arith.index_cast %parallel_loop3A_312 : i32 to index
          %parallel_loop3A_314 = arith.index_cast %parallel_loop3A_7 : i32 to index
          %parallel_loop3A_315 = tpu.vector_load %arg5[%parallel_loop3A_313, %parallel_loop3A_314] {strides = array<i32>} : memref<64x1024xf32, #tpu.memory_space<vmem>>, vector<16xf32>,
          %parallel_loop3A_316 = arith.subf %parallel_loop3A_315, %scan3A_49 : vector<16xf32>
          %parallel_loop3A_317 = math.exp %parallel_loop3A_316 : vector<16xf32>
          %parallel_loop3A_318 = arith.cmpf oge, %parallel_loop3A_315, %parallel_loop3A_60 : vector<16xf32>
          %parallel_loop3A_319 = arith.constant 0.000000e+00 : f32
          %parallel_loop3A_320 = vector.broadcast %parallel_loop3A_319 : f32 to vector<16xf32>
          %parallel_loop3A_321 = arith.select %parallel_loop3A_318, %parallel_loop3A_317, %parallel_loop3A_320 : vector<16xi1>, vector<16xf32>
          %parallel_loop3A_322 = arith.addf %parallel_loop3A_250, %parallel_loop3A_321 : vector<16xf32>
          %parallel_loop3A_323 = arith.cmpf ogt, %parallel_loop3A_315, %parallel_loop3A_252 : vector<16xf32>
          %parallel_loop3A_324 = arith.select %parallel_loop3A_323, %parallel_loop3A_315, %parallel_loop3A_252 : vector<16xi1>, vector<16xf32>
          %parallel_loop3A_325 = arith.constant 11 : i32
          %parallel_loop3A_326 = arith.addi %parallel_loop3A_112, %parallel_loop3A_325 : i32
          %parallel_loop3A_327 = vector.broadcast %parallel_loop3A_326 : i32 to vector<16xi32>
          %parallel_loop3A_328 = arith.select %parallel_loop3A_323, %parallel_loop3A_327, %parallel_loop3A_256 : vector<16xi1>, vector<16xi32>
          %parallel_loop3A_329 = arith.constant 12 : i32
          %parallel_loop3A_330 = arith.addi %parallel_loop3A_112, %parallel_loop3A_329 : i32
          %parallel_loop3A_331 = arith.index_cast %parallel_loop3A_330 : i32 to index
          %parallel_loop3A_332 = arith.index_cast %parallel_loop3A_7 : i32 to index
          %parallel_loop3A_333 = tpu.vector_load %arg5[%parallel_loop3A_331, %parallel_loop3A_332] {strides = array<i32>} : memref<64x1024xf32, #tpu.memory_space<vmem>>, vector<16xf32>,
          %parallel_loop3A_334 = arith.subf %parallel_loop3A_333, %scan3A_49 : vector<16xf32>
          %parallel_loop3A_335 = math.exp %parallel_loop3A_334 : vector<16xf32>
          %parallel_loop3A_336 = arith.cmpf oge, %parallel_loop3A_333, %parallel_loop3A_60 : vector<16xf32>
          %parallel_loop3A_337 = arith.constant 0.000000e+00 : f32
          %parallel_loop3A_338 = vector.broadcast %parallel_loop3A_337 : f32 to vector<16xf32>
          %parallel_loop3A_339 = arith.select %parallel_loop3A_336, %parallel_loop3A_335, %parallel_loop3A_338 : vector<16xi1>, vector<16xf32>
          %parallel_loop3A_340 = arith.addf %parallel_loop3A_268, %parallel_loop3A_339 : vector<16xf32>
          %parallel_loop3A_341 = arith.cmpf ogt, %parallel_loop3A_333, %parallel_loop3A_270 : vector<16xf32>
          %parallel_loop3A_342 = arith.select %parallel_loop3A_341, %parallel_loop3A_333, %parallel_loop3A_270 : vector<16xi1>, vector<16xf32>
          %parallel_loop3A_343 = arith.constant 12 : i32
          %parallel_loop3A_344 = arith.addi %parallel_loop3A_112, %parallel_loop3A_343 : i32
          %parallel_loop3A_345 = vector.broadcast %parallel_loop3A_344 : i32 to vector<16xi32>
          %parallel_loop3A_346 = arith.select %parallel_loop3A_341, %parallel_loop3A_345, %parallel_loop3A_274 : vector<16xi1>, vector<16xi32>
          %parallel_loop3A_347 = arith.constant 13 : i32
          %parallel_loop3A_348 = arith.addi %parallel_loop3A_112, %parallel_loop3A_347 : i32
          %parallel_loop3A_349 = arith.index_cast %parallel_loop3A_348 : i32 to index
          %parallel_loop3A_350 = arith.index_cast %parallel_loop3A_7 : i32 to index
          %parallel_loop3A_351 = tpu.vector_load %arg5[%parallel_loop3A_349, %parallel_loop3A_350] {strides = array<i32>} : memref<64x1024xf32, #tpu.memory_space<vmem>>, vector<16xf32>,
          %parallel_loop3A_352 = arith.subf %parallel_loop3A_351, %scan3A_49 : vector<16xf32>
          %parallel_loop3A_353 = math.exp %parallel_loop3A_352 : vector<16xf32>
          %parallel_loop3A_354 = arith.cmpf oge, %parallel_loop3A_351, %parallel_loop3A_60 : vector<16xf32>
          %parallel_loop3A_355 = arith.constant 0.000000e+00 : f32
          %parallel_loop3A_356 = vector.broadcast %parallel_loop3A_355 : f32 to vector<16xf32>
          %parallel_loop3A_357 = arith.select %parallel_loop3A_354, %parallel_loop3A_353, %parallel_loop3A_356 : vector<16xi1>, vector<16xf32>
          %parallel_loop3A_358 = arith.addf %parallel_loop3A_286, %parallel_loop3A_357 : vector<16xf32>
          %parallel_loop3A_359 = arith.cmpf ogt, %parallel_loop3A_351, %parallel_loop3A_288 : vector<16xf32>
          %parallel_loop3A_360 = arith.select %parallel_loop3A_359, %parallel_loop3A_351, %parallel_loop3A_288 : vector<16xi1>, vector<16xf32>
          %parallel_loop3A_361 = arith.constant 13 : i32
          %parallel_loop3A_362 = arith.addi %parallel_loop3A_112, %parallel_loop3A_361 : i32
          %parallel_loop3A_363 = vector.broadcast %parallel_loop3A_362 : i32 to vector<16xi32>
          %parallel_loop3A_364 = arith.select %parallel_loop3A_359, %parallel_loop3A_363, %parallel_loop3A_292 : vector<16xi1>, vector<16xi32>
          %parallel_loop3A_365 = arith.constant 14 : i32
          %parallel_loop3A_366 = arith.addi %parallel_loop3A_112, %parallel_loop3A_365 : i32
          %parallel_loop3A_367 = arith.index_cast %parallel_loop3A_366 : i32 to index
          %parallel_loop3A_368 = arith.index_cast %parallel_loop3A_7 : i32 to index
          %parallel_loop3A_369 = tpu.vector_load %arg5[%parallel_loop3A_367, %parallel_loop3A_368] {strides = array<i32>} : memref<64x1024xf32, #tpu.memory_space<vmem>>, vector<16xf32>,
          %parallel_loop3A_370 = arith.subf %parallel_loop3A_369, %scan3A_49 : vector<16xf32>
          %parallel_loop3A_371 = math.exp %parallel_loop3A_370 : vector<16xf32>
          %parallel_loop3A_372 = arith.cmpf oge, %parallel_loop3A_369, %parallel_loop3A_60 : vector<16xf32>
          %parallel_loop3A_373 = arith.constant 0.000000e+00 : f32
          %parallel_loop3A_374 = vector.broadcast %parallel_loop3A_373 : f32 to vector<16xf32>
          %parallel_loop3A_375 = arith.select %parallel_loop3A_372, %parallel_loop3A_371, %parallel_loop3A_374 : vector<16xi1>, vector<16xf32>
          %parallel_loop3A_376 = arith.addf %parallel_loop3A_304, %parallel_loop3A_375 : vector<16xf32>
          %parallel_loop3A_377 = arith.cmpf ogt, %parallel_loop3A_369, %parallel_loop3A_306 : vector<16xf32>
          %parallel_loop3A_378 = arith.select %parallel_loop3A_377, %parallel_loop3A_369, %parallel_loop3A_306 : vector<16xi1>, vector<16xf32>
          %parallel_loop3A_379 = arith.constant 14 : i32
          %parallel_loop3A_380 = arith.addi %parallel_loop3A_112, %parallel_loop3A_379 : i32
          %parallel_loop3A_381 = vector.broadcast %parallel_loop3A_380 : i32 to vector<16xi32>
          %parallel_loop3A_382 = arith.select %parallel_loop3A_377, %parallel_loop3A_381, %parallel_loop3A_310 : vector<16xi1>, vector<16xi32>
          %parallel_loop3A_383 = arith.constant 15 : i32
          %parallel_loop3A_384 = arith.addi %parallel_loop3A_112, %parallel_loop3A_383 : i32
          %parallel_loop3A_385 = arith.index_cast %parallel_loop3A_384 : i32 to index
          %parallel_loop3A_386 = arith.index_cast %parallel_loop3A_7 : i32 to index
          %parallel_loop3A_387 = tpu.vector_load %arg5[%parallel_loop3A_385, %parallel_loop3A_386] {strides = array<i32>} : memref<64x1024xf32, #tpu.memory_space<vmem>>, vector<16xf32>,
          %parallel_loop3A_388 = arith.subf %parallel_loop3A_387, %scan3A_49 : vector<16xf32>
          %parallel_loop3A_389 = math.exp %parallel_loop3A_388 : vector<16xf32>
          %parallel_loop3A_390 = arith.cmpf oge, %parallel_loop3A_387, %parallel_loop3A_60 : vector<16xf32>
          %parallel_loop3A_391 = arith.constant 0.000000e+00 : f32
          %parallel_loop3A_392 = vector.broadcast %parallel_loop3A_391 : f32 to vector<16xf32>
          %parallel_loop3A_393 = arith.select %parallel_loop3A_390, %parallel_loop3A_389, %parallel_loop3A_392 : vector<16xi1>, vector<16xf32>
          %parallel_loop3A_394 = arith.addf %parallel_loop3A_322, %parallel_loop3A_393 : vector<16xf32>
          %parallel_loop3A_395 = arith.cmpf ogt, %parallel_loop3A_387, %parallel_loop3A_324 : vector<16xf32>
          %parallel_loop3A_396 = arith.select %parallel_loop3A_395, %parallel_loop3A_387, %parallel_loop3A_324 : vector<16xi1>, vector<16xf32>
          %parallel_loop3A_397 = arith.constant 15 : i32
          %parallel_loop3A_398 = arith.addi %parallel_loop3A_112, %parallel_loop3A_397 : i32
          %parallel_loop3A_399 = vector.broadcast %parallel_loop3A_398 : i32 to vector<16xi32>
          %parallel_loop3A_400 = arith.select %parallel_loop3A_395, %parallel_loop3A_399, %parallel_loop3A_328 : vector<16xi1>, vector<16xi32>
          scf.yield %parallel_loop3A_340, %parallel_loop3A_358, %parallel_loop3A_376, %parallel_loop3A_394, %parallel_loop3A_342, %parallel_loop3A_360, %parallel_loop3A_378, %parallel_loop3A_396, %parallel_loop3A_346, %parallel_loop3A_364, %parallel_loop3A_382, %parallel_loop3A_400 : vector<16xf32>, vector<16xf32>, vector<16xf32>, vector<16xf32>, vector<16xf32>, vector<16xf32>, vector<16xf32>, vector<16xf32>, vector<16xi32>, vector<16xi32>, vector<16xi32>, vector<16xi32>
        }
        %parallel_loop3A_66 = arith.constant 4 : i32
        %parallel_loop3A_67 = arith.addf %parallel_loop3A_65#0, %parallel_loop3A_65#1 : vector<16xf32>
        %parallel_loop3A_68 = arith.addf %parallel_loop3A_65#2, %parallel_loop3A_65#3 : vector<16xf32>
        %parallel_loop3A_69 = arith.addf %parallel_loop3A_67, %parallel_loop3A_68 : vector<16xf32>
        %parallel_loop3A_70 = arith.cmpf ogt, %parallel_loop3A_65#5, %parallel_loop3A_65#4 : vector<16xf32>
        %parallel_loop3A_71 = arith.cmpf oeq, %parallel_loop3A_65#5, %parallel_loop3A_65#4 : vector<16xf32>
        %parallel_loop3A_72 = arith.cmpi slt, %parallel_loop3A_65#9, %parallel_loop3A_65#8 : vector<16xi32>
        %parallel_loop3A_73 = arith.andi %parallel_loop3A_71, %parallel_loop3A_72 : vector<16xi1>
        %parallel_loop3A_74 = arith.ori %parallel_loop3A_70, %parallel_loop3A_73 : vector<16xi1>
        %parallel_loop3A_75 = arith.select %parallel_loop3A_74, %parallel_loop3A_65#5, %parallel_loop3A_65#4 : vector<16xi1>, vector<16xf32>
        %parallel_loop3A_76 = arith.select %parallel_loop3A_74, %parallel_loop3A_65#9, %parallel_loop3A_65#8 : vector<16xi1>, vector<16xi32>
        %parallel_loop3A_77 = arith.cmpf ogt, %parallel_loop3A_65#6, %parallel_loop3A_75 : vector<16xf32>
        %parallel_loop3A_78 = arith.cmpf oeq, %parallel_loop3A_65#6, %parallel_loop3A_75 : vector<16xf32>
        %parallel_loop3A_79 = arith.cmpi slt, %parallel_loop3A_65#10, %parallel_loop3A_76 : vector<16xi32>
        %parallel_loop3A_80 = arith.andi %parallel_loop3A_78, %parallel_loop3A_79 : vector<16xi1>
        %parallel_loop3A_81 = arith.ori %parallel_loop3A_77, %parallel_loop3A_80 : vector<16xi1>
        %parallel_loop3A_82 = arith.select %parallel_loop3A_81, %parallel_loop3A_65#6, %parallel_loop3A_75 : vector<16xi1>, vector<16xf32>
        %parallel_loop3A_83 = arith.select %parallel_loop3A_81, %parallel_loop3A_65#10, %parallel_loop3A_76 : vector<16xi1>, vector<16xi32>
        %parallel_loop3A_84 = arith.cmpf ogt, %parallel_loop3A_65#7, %parallel_loop3A_82 : vector<16xf32>
        %parallel_loop3A_85 = arith.cmpf oeq, %parallel_loop3A_65#7, %parallel_loop3A_82 : vector<16xf32>
        %parallel_loop3A_86 = arith.cmpi slt, %parallel_loop3A_65#11, %parallel_loop3A_83 : vector<16xi32>
        %parallel_loop3A_87 = arith.andi %parallel_loop3A_85, %parallel_loop3A_86 : vector<16xi1>
        %parallel_loop3A_88 = arith.ori %parallel_loop3A_84, %parallel_loop3A_87 : vector<16xi1>
        %parallel_loop3A_89 = arith.select %parallel_loop3A_88, %parallel_loop3A_65#7, %parallel_loop3A_82 : vector<16xi1>, vector<16xf32>
        %parallel_loop3A_90 = arith.select %parallel_loop3A_88, %parallel_loop3A_65#11, %parallel_loop3A_83 : vector<16xi1>, vector<16xi32>
        %parallel_loop3A_91 = arith.constant 1.000000e+00 : f32
        %parallel_loop3A_92 = vector.broadcast %parallel_loop3A_91 : f32 to vector<16xf32>
        %parallel_loop3A_93 = arith.addf %parallel_loop3A_69, %parallel_loop3A_92 : vector<16xf32>
        %parallel_loop3A_94 = arith.constant 1.000000e+00 : f32
        %parallel_loop3A_95 = vector.broadcast %parallel_loop3A_94 : f32 to vector<16xf32>
        %parallel_loop3A_96 = arith.divf %parallel_loop3A_95, %parallel_loop3A_93 : vector<16xf32>
        %parallel_loop3A_97 = vector.broadcast %scan3A : i32 to vector<16xi32>
        tpu.vector_store_idx %arg6[%parallel_loop3A_97, %parallel_loop3A_9], %scan3A_50 : memref<8x1024xi32, #tpu.memory_space<vmem>>[vector<16xi32>, vector<16xi32>], vector<16xi32>,
        tpu.vector_store_idx %arg7[%parallel_loop3A_97, %parallel_loop3A_9], %parallel_loop3A_96 : memref<8x1024xf32, #tpu.memory_space<vmem>>[vector<16xi32>, vector<16xi32>], vector<16xf32>,
        scf.yield %parallel_loop3A_89, %parallel_loop3A_90 : vector<16xf32>, vector<16xi32>
      }
      %parallel_loop3A_48 = arith.constant 8 : i32
    } {sc.loop_unroll_factor = 1 : i64, sc.parallel_access}
    "tpu.region"() ({
      %run_scoped3A = tpu.sem_alloc : memref<!tpu.dma_semaphore, #tpu.memory_space<semaphore_mem>>
      %dma_start3A = arith.constant 0 : i32
      %dma_start3A_5 = tpu.memref_slice %arg3[%dma_start3A, %mul3A_2] : memref<8x32768xi32, #tpu.memory_space<hbm>> -> memref<8x1024xi32, #tpu.memory_space<hbm>>
      %dma_start3A_6 = arith.constant 0 : i32
      %dma_start3A_7 = tpu.memref_slice %arg3[%dma_start3A_6, %mul3A_2] : memref<8x32768xi32, #tpu.memory_space<hbm>> -> memref<8x1024xi32, #tpu.memory_space<hbm>>
      tpu.enqueue_dma source(%arg6 : memref<8x1024xi32, #tpu.memory_space<vmem>>) target(%dma_start3A_7 : memref<8x1024xi32, #tpu.memory_space<hbm>>) target_semaphore(%run_scoped3A : memref<!tpu.dma_semaphore, #tpu.memory_space<semaphore_mem>>)
      %dma_wait3A = arith.constant 0 : i32
      %dma_wait3A_8 = tpu.memref_slice %arg3[%dma_wait3A, %mul3A_2] : memref<8x32768xi32, #tpu.memory_space<hbm>> -> memref<8x1024xi32, #tpu.memory_space<hbm>>
      %dma_wait3A_9 = arith.constant 0 : i32
      %dma_wait3A_10 = tpu.memref_slice %arg3[%dma_wait3A_9, %mul3A_2] : memref<8x32768xi32, #tpu.memory_space<hbm>> -> memref<8x1024xi32, #tpu.memory_space<hbm>>
      tpu.wait_dma2 semaphore(%run_scoped3A : memref<!tpu.dma_semaphore, #tpu.memory_space<semaphore_mem>>) src(%arg6 : memref<8x1024xi32, #tpu.memory_space<vmem>>) dst(%dma_wait3A_10 : memref<8x1024xi32, #tpu.memory_space<hbm>>)
      tpu.yield
    }) : () -> ()
    "tpu.region"() ({
      %run_scoped3A = tpu.sem_alloc : memref<!tpu.dma_semaphore, #tpu.memory_space<semaphore_mem>>
      %dma_start3A = arith.constant 0 : i32
      %dma_start3A_5 = tpu.memref_slice %arg4[%dma_start3A, %mul3A_2] : memref<8x32768xf32, #tpu.memory_space<hbm>> -> memref<8x1024xf32, #tpu.memory_space<hbm>>
      %dma_start3A_6 = arith.constant 0 : i32
      %dma_start3A_7 = tpu.memref_slice %arg4[%dma_start3A_6, %mul3A_2] : memref<8x32768xf32, #tpu.memory_space<hbm>> -> memref<8x1024xf32, #tpu.memory_space<hbm>>
      tpu.enqueue_dma source(%arg7 : memref<8x1024xf32, #tpu.memory_space<vmem>>) target(%dma_start3A_7 : memref<8x1024xf32, #tpu.memory_space<hbm>>) target_semaphore(%run_scoped3A : memref<!tpu.dma_semaphore, #tpu.memory_space<semaphore_mem>>)
      %dma_wait3A = arith.constant 0 : i32
      %dma_wait3A_8 = tpu.memref_slice %arg4[%dma_wait3A, %mul3A_2] : memref<8x32768xf32, #tpu.memory_space<hbm>> -> memref<8x1024xf32, #tpu.memory_space<hbm>>
      %dma_wait3A_9 = arith.constant 0 : i32
      %dma_wait3A_10 = tpu.memref_slice %arg4[%dma_wait3A_9, %mul3A_2] : memref<8x32768xf32, #tpu.memory_space<hbm>> -> memref<8x1024xf32, #tpu.memory_space<hbm>>
      tpu.wait_dma2 semaphore(%run_scoped3A : memref<!tpu.dma_semaphore, #tpu.memory_space<semaphore_mem>>) src(%arg7 : memref<8x1024xf32, #tpu.memory_space<vmem>>) dst(%dma_wait3A_10 : memref<8x1024xf32, #tpu.memory_space<hbm>>)
      tpu.yield
    }) : () -> ()
    return
  }
}

</mosaic_0001>

<sc_bundles>
// kernel: _router.3.cloned.1.call-start
scs
__scs_entry_jumppad:
0x0: {  	(pc) =	sbr.rel $0x88, $3  }
0x1: {  	(tag) =	ssettag $0x0;
	lr =	simm.s32 $0x1  }
0x2: {  	[smem:$0x3FA0] =	sst lr;
	_ =	strace $0xD0000000  }
0x3: {  	_ = 	snop  }
0x4: {  	_ = 	snop  }
0x5: {  	_ = 	snop  }
0x6: {  	_ = 	snop  }
0x7: {  	_ = 	snop  }
__scs_overlays_trampoline_lowered:
0x8: {  	[smem:$0x3FAF] =	sst s0  }
0x9: {  	[smem:$0x3FB0] =	sst s1  }
0xa: {  	[smem:$0x3FB1] =	sst s2  }
0xb: {  	[smem:$0x3FB2] =	sst s3  }
0xc: {  	[smem:$0x3FB3] =	sst s4  }
0xd: {  	[smem:$0x3FB4] =	sst s5  }
0xe: {  	[smem:$0x3FB5] =	sst s6  }
0xf: {  	[smem:$0x3FB6] =	sst s7  }
0x10: {  	[smem:$0x3FB7] =	sst s8  }
0x11: {  	[smem:$0x3FB8] =	sst s9;
	s0 =	simm.s32 @!p0 $0x0  }
0x12: {  	s1 =	sld [smem:$0x3F9E];
	s0 =	simm.s32 @p0 $0x1  }
0x13: {  	[smem:$0x3FB9] =	sst s0;
	s0 =	simm.s32 @!p1 $0x0  }
0x14: {  	s2 =	sld [smem:$0x3F9D];
	s0 =	simm.s32 @p1 $0x1  }
0x15: {  	[smem:$0x3FBA] =	sst s0;
	s0 =	simm.s32 @!p2 $0x0  }
0x16: {  	s3 =	sld [smem:$0x3FDB];
	s0 =	simm.s32 @p2 $0x1  }
0x17: {  	s4 =	simm.s32 $0x1BF5;
	[smem:$0x3FBC] =	sst s0  }
0x18: {  	s0 =	sld [smem:$0x3F9F];
	_ =	swait.ge [sflag:s4], $0x0  }
0x19: {  	s7 =	sld [smem:$0x3FA0]  }
0x1a: {  	s8 =	sadd.s32 $0xFFFFE003, lr  }
0x1b: {  	s9 =	sadd.s32 $0xFFFFFEF7, lr;
	s5 =	simm.s32 $0xFFFFFFFF;
	p2 =	slt.u32 s8, $0xFFFFF086  }
0x1c: {  	p1 =	slt.u32 s9, $0xF7A;
	s5 =	simm.s32 @!p2 $0x0  }
0x1d: {  	s5 =	simm.s32 @p1 $0x1;
	p0 =	seq.s32 s7, s2  }
0x1e: {  	s7 =	smul.u32 @!p0 $0xF7A, s2;
	p2 =	seq.s32 @!p0 s5, $0x0  }
0x1f: {  	s9 =	smul.u32 $0xF7A, s1;
	s8 =	simm.s32 @!p0 $0x1BF5;
	p2 =	por !p2, p0  }
0x20: {  	[sflag:s8] =	ssyncset.s32 @!p0 $0xFFFFF086;
	s6 =	sadd.s32 @!p0 s3, s7;
	s7 =	simm.s32 @!p0 $0x108  }
0x21: {  	s3 =	sadd.s32 s3, s9;
	s6 =	sadd.s32 @!p0 $0x88, s6;
	s7 =	simm.s32 @p2 $0x1082  }
0x22: {  	[simem:s7], [sflag:s8] =	dma.local @!p0 [hbm:s6], $0xF7A  }
0x23: {  	s9 =	sor.u32 $0xD0000000, s2;
	s6 =	simm.s32 $0x108;
	_ =	swait.ge @!p0 [sflag:s8], $0x0  }
0x24: {  	s3 =	sadd.s32 $0x88, s3;
	s6 =	simm.s32 @!p1 $0x1082;
	[sflag:s4] =	ssyncset.s32 $0xFFFFF086  }
0x25: {  	[simem:s6], [sflag:s4] =	dma.local [hbm:s3], $0xF7A  }
0x26: {  	[smem:$0x3FA0] =	sst s1;
	(tag) =	ssettag s2;
	_ =	strace s9  }
0x27: {  	s1 =	sld [smem:$0x3FB0]  }
0x28: {  	s2 =	sld [smem:$0x3FB1]  }
0x29: {  	s4 =	sld [smem:$0x3FB3]  }
0x2a: {  	p0 =	seq.s32 s5, $0x0;
	s5 =	sld [smem:$0x3FB4]  }
0x2b: {  	s6 =	sld [smem:$0x3FB5]  }
0x2c: {  	s7 =	sld [smem:$0x3FB6]  }
0x2d: {  	s3 =	simm.s32 $0x108;
	s8 =	sld [smem:$0x3FB7]  }
0x2e: {  	s3 =	simm.s32 @!p0 $0x1082;
	s9 =	sld [smem:$0x3FB8]  }
0x2f: {  	lr =	sadd.s32 s0, s3;
	s0 =	sld [smem:$0x3FAF]  }
0x30: {  	s3 =	sld [smem:$0x3FB2]  }
0x31: {  	[smem:$0x3FBB] =	sst s10  }
0x32: {  	s10 =	sld [smem:$0x3FB9];
	_ =	sdelay $0x3  }
0x33: {  	p0 =	seq.s32 s10, $0x1;
	s10 =	sld [smem:$0x3FBB];
	_ =	sdelay $0x3  }
0x34: {  	[smem:$0x3FBB] =	sst s10  }
0x35: {  	s10 =	sld [smem:$0x3FBA];
	_ =	sdelay $0x3  }
0x36: {  	p1 =	seq.s32 s10, $0x1;
	s10 =	sld [smem:$0x3FBB];
	_ =	sdelay $0x3  }
0x37: {  	[smem:$0x3FBB] =	sst s10  }
0x38: {  	s10 =	sld [smem:$0x3FBC]  }
0x39: {  	_ = 	snop;
	(pc) =	sbr.ind lr, $3  }
0x3a: {  	_ = 	snop  }
0x3b: {  	_ = 	snop  }
0x3c: {  	p2 =	seq.s32 s10, $0x1;
	s10 =	sld [smem:$0x3FBB]  }
0x3d: {  	_ =	shalt  }
0x3e: {  	_ =	shalt  }
0x3f: {  	_ =	shalt  }
0x40: {  	_ =	shalt  }
0x41: {  	_ =	shalt  }
0x42: {  	_ =	shalt  }
0x43: {  	_ =	shalt  }
0x44: {  	_ =	shalt  }
0x45: {  	_ =	shalt  }
0x46: {  	_ =	shalt  }
0x47: {  	_ =	shalt  }
0x48: {  	_ =	shalt  }
0x49: {  	_ =	shalt  }
0x4a: {  	_ =	shalt  }
0x4b: {  	_ =	shalt  }
0x4c: {  	_ =	shalt  }
0x4d: {  	_ =	shalt  }
0x4e: {  	_ =	shalt  }
0x4f: {  	_ =	shalt  }
0x50: {  	_ =	shalt  }
0x51: {  	_ =	shalt  }
0x52: {  	_ =	shalt  }
0x53: {  	_ =	shalt  }
0x54: {  	_ =	shalt  }
0x55: {  	_ =	shalt  }
0x56: {  	_ =	shalt  }
0x57: {  	_ =	shalt  }
0x58: {  	_ =	shalt  }
0x59: {  	_ =	shalt  }
0x5a: {  	_ =	shalt  }
0x5b: {  	_ =	shalt  }
0x5c: {  	_ =	shalt  }
0x5d: {  	_ =	shalt  }
0x5e: {  	_ =	shalt  }
0x5f: {  	_ =	shalt  }
0x60: {  	_ =	shalt  }
0x61: {  	_ =	shalt  }
0x62: {  	_ =	shalt  }
0x63: {  	_ =	shalt  }
0x64: {  	_ =	shalt  }
0x65: {  	_ =	shalt  }
0x66: {  	_ =	shalt  }
0x67: {  	_ =	shalt  }
0x68: {  	_ =	shalt  }
0x69: {  	_ =	shalt  }
0x6a: {  	_ =	shalt  }
0x6b: {  	_ =	shalt  }
0x6c: {  	_ =	shalt  }
0x6d: {  	_ =	shalt  }
0x6e: {  	_ =	shalt  }
0x6f: {  	_ =	shalt  }
0x70: {  	_ =	shalt  }
0x71: {  	_ =	shalt  }
0x72: {  	_ =	shalt  }
0x73: {  	_ =	shalt  }
0x74: {  	_ =	shalt  }
0x75: {  	_ =	shalt  }
0x76: {  	_ =	shalt  }
0x77: {  	_ =	shalt  }
0x78: {  	_ =	shalt  }
0x79: {  	_ =	shalt  }
0x7a: {  	_ =	shalt  }
0x7b: {  	_ =	shalt  }
0x7c: {  	_ =	shalt  }
0x7d: {  	_ =	shalt  }
0x7e: {  	_ =	shalt  }
0x7f: {  	_ =	shalt  }
0x80: {  	_ =	shalt  }
0x81: {  	_ =	shalt  }
0x82: {  	_ =	shalt  }
0x83: {  	_ =	shalt  }
0x84: {  	_ =	shalt  }
0x85: {  	_ =	shalt  }
0x86: {  	_ =	shalt  }
0x87: {  	_ =	shalt  }
.Lfunc_end0:
.L_simem_size_0:
called_computation_lowered:
.L_overlay_start_0:
0x88: {  	s2 =	sld [smem:$0x3FD9]  }
0x89: {  	s3 =	sld [smem:$0x3FFE];
	_ =	sdelay $0x1  }
0x8a: {  	s1 =	srdreg.scid  }
0x8b: {  	s0 =	sand.u32 $0x1, s1  }
0x8c: {  	s15 =	sshll.u32 s0, $0xA;
	s2 =	sadd.s32 s3, s2  }
0x8d: {  	s2 =	sadd.s32 s2, s15  }
0x8e: {  	[smem:$0x3FC7] =	sst s2  }
0x8f: {  	_ = 	snop  }
0x90: {  	s2 =	sld [smem:$0x3FD0];
	_ =	sdelay $0x2  }
0x91: {  	s4 =	simm.s32 $0xA;
	s5 =	simm.s32 $0x10;
	s16 =	sld [smem:$0x3FC9]  }
0x92: {  	[smem:s5], [sflag:s4] =	dma.local [hbm:s2], $0x1  }
0x93: {  	_ =	swait.eq [sflag:s4], $0x1  }
0x94: {  	[sflag:s4] =	ssyncset.done $0x0  }
0x95: {  	s17 =	sld [smem:$0x10];
	[sflag:s4] =	ssyncadd.s32 $0xFFFFFFFF  }
0x96: {  	s18 =	sld [smem:$0x11];
	(tm) =	ssettm $0x1  }
0x97: {  	s19 =	sld [smem:$0x3FFB];
	_ =	sdelay $0x3  }
0x98: {  	_ =	strace s19  }
0x99: {  	s5 =	sld [smem:$0x3FFC];
	_ =	sdelay $0x3  }
0x9a: {  	_ =	strace s5  }
0x9b: {  	s5 =	sld [smem:$0x3FFD];
	_ =	sdelay $0x3  }
0x9c: {  	_ =	strace s5  }
0x9d: {  	_ =	strace $0x8FFFFFFF  }
0x9e: {  	s20 =	sld [smem:$0x3FDB];
	_ =	sdelay $0x1  }
0x9f: {  	s6 =	simm.s32 $_scs_section_size  }
0xa0: {  	s7 =	simm.s32 $_size__tile_overlayer_lowered;
	s8 =	simm.s32 $_tile_overlayer_lowered  }
0xa1: {  	s23 =	simm.s32 $0x1BFF;
	s22 =	sshll.u32 s8, $0x1;
	s5 =	sadd.s32 s6, s20  }
0xa2: {  	s9 =	simm.s32 $0x0;
	s21 =	sshll.u32 s7, $0x1;
	s7 =	sadd.s32 s22, s5  }
0xa3: {  	[timem:s9], [sflag:s23] =	dma.local [hbm:s7], s21  }
0xa4: {  	_ =	swait.ge [sflag:s23], s21  }
0xa5: {  	s6 =	ssub.s32 $0x0, s21;
	[sflag:s23] =	ssyncset.done $0x0  }
0xa6: {  	[sflag:s23] =	ssyncadd.s32 s6;
	_ =	sdelay $0x1  }
0xa7: {  	s24 =	simm.s32 $0x1B8B  }
0xa8: {  	_ =	swait.ge [sflag:s24], $0x1  }
0xa9: {  	[sflag:s24] =	ssyncset.done $0x0  }
0xaa: {  	s25 =	simm.s32 $0x1B8E;
	[sflag:s24] =	ssyncadd.s32 $0xFFFFFFFF  }
0xab: {  	s26 =	simm.s32 $execute0_lowered;
	[smem:$0x3FD2] =	sst s25  }
0xac: {  	s6 =	sshll.u32 s26, $0x1;
	_ =	strace $0x80000046;
	[dreg:$0x1] =	wrdreg $0xFFFFFFFF  }
0xad: {  	s28 =	simm.s32 $_size_execute0_lowered;
	s5 =	sadd.s32 s5, s6;
	[dreg:$0x0] =	wrdreg $0x0  }
0xae: {  	s6 =	sshll.u32 s28, $0x1;
	[dreg:$0x2] =	wrdreg s5  }
0xaf: {  	[dreg:$0x3] =	wrdreg s6  }
0xb0: {  	[dreg:$0x4] =	wrdreg $0xC0  }
0xb1: {  	_ =	task [dreg:s9], $0x5FFFF  }
0xb2: {  	[dreg:$0x1] =	wrdreg $0xFFFFFFFF  }
0xb3: {  	[dreg:$0x0] =	wrdreg $0x60  }
0xb4: {  	[dreg:$0x2] =	wrdreg s16  }
0xb5: {  	[dreg:$0x3] =	wrdreg s17  }
0xb6: {  	[dreg:$0x4] =	wrdreg s18  }
0xb7: {  	[dreg:$0x5] =	wrdreg $0x9  }
0xb8: {  	_ =	task.clear_ibuf [dreg:s9], $0x6FFFF;
	_ =	strace $0x90000046  }
0xb9: {  	s29 =	simm.s32 $0x9;
	_ =	strace $0x80000048  }
0xba: {  	_ =	swait.ge [sflag:s29], $0x1  }
0xbb: {  	[sflag:s29] =	ssyncadd.s32 $0xFFFFFFFF  }
0xbc: {  	_ =	strace $0x90000048  }
0xbd: {  	_ =	sfence  }
0xbe: {  	s30 =	sld [smem:$0x0];
	_ =	sdelay $0x2  }
0xbf: {  	s31 =	sshll.u32 s1, $0xD;
	s1 =	sshrl.u32 s1, $0x2  }
0xc0: {  	s3 =	sand.u32 $0x4000, s31;
	s1 =	sadd.s32 s1, s30  }
0xc1: {  	s0 =	sor.u32 s3, s0;
	s1 =	sshll.u32 s1, $0x11  }
0xc2: {  	s0 =	sor.u32 s1, s0  }
0xc3: {  	s0 =	sadd.s32 $0x8F2B, s0  }
0xc4: {  	[sflag:s0] =	ssyncadd.remote.s32 $0x1  }
0xc5: {  	_ =	sfence.sel $0xFFFF  }
0xc6: {  	[dreg:$0x0] =	wrdreg $0xFFFFFFFF;
	(pc) =	sbr.abs _section_cstart, $3  }
0xc7: {  	[dreg:$0x1] =	wrdreg $0xFFFFFFFF  }
0xc8: {  	_ =	task.clear_ibuf [dreg:s9], $0x2FFFF;
	_ =	strace $0x9FFFFFFF  }
0xc9: {  	(tm) =	ssettm $0x7FFFFFFF  }
tec
execute0_lowered:
.L_overlay_start_1:
0x0: {  	(tag) =	ssettag $0x1  }
0x1: {  	s3 =	rddreg [dreg:$0x0]  }
0x2: {  	s4 =	rddreg [dreg:$0x1]  }
0x3: {  	s5 =	rddreg [dreg:$0x2]  }
0x4: {  	s0 =	rddreg [dreg:$0x3];
	s6 =	srdreg.scid  }
0x5: {  	s2 =	simm.s32 $0x0;
	s1 =	stileid.u32;
	s10 =	simm.s32 $0x10000  }
0x6: {  	s11 =	simm.s32 $0x12000;
	s12 =	simm.s32 $0x0;
	s6 =	sand.u32 $0x1, s6  }
0x7: {  	s8 =	sshll.u32 s1, $0xB;
	[smem:$0x7FF] =	sst s2;
	s7 =	ssub.s32 $0x2, s6  }
0x8: {  	s6 =	sshll.u32 s6, $0xA;
	_ =	strace $0x80000047;
	s9 =	sshrl.u32 s7, $0x1  }
0x9: {  	s6 =	sor.u32 s6, s8;
	s8 =	simm.s32 $0x40000;
	s7 =	ssub.s32 s7, s9  }
0xa: {  	s3 =	sadd.s32 s3, s6;
	s4 =	sadd.s32 s4, s6;
	s5 =	sadd.s32 s5, s6  }
0xb: {  	v0 =	vlaneseq.u32;
	v1 =	vimm.f32 $1.020408150e+00;
	s9 =	simm.s32 $0x1;
	s6 =	smax.u32 s7, $0x1;
	s7 =	simm.s32 $0x2000  }
.LBB2_1:
0xc: {  	[tilespmem:s2], [sflag:$0x1] =	stream.strided.gather [hbm4b:s3+s7], $0x10000, s8, s7, $0x38;
	[tilespmem:$0x14000] =	vst v63  }
0xd: {  	_ =	swait.ge [sflag:s9], $0x10000  }
0xe: {  	s13 =	simm.s32 $0x0;
	[sflag:s9] =	ssyncset.done $0x0  }
0xf: {  	s14 =	simm.s32 $0x0;
	s15 =	simm.s32 $0x0;
	[sflag:s9] =	ssyncadd.s32 $0xFFFF0000  }
.LBB2_2:
0x10: {  	s16 =	sshll.u32 s14, $0x2;
	s17 =	sand.u32 $0x7, s13  }
0x11: {  	s16 =	sand.u32 $0xFFFFF000, s16;
	s17 =	sshll.u32 s17, $0x6  }
0x12: {  	s16 =	sor.u32 s17, s16  }
0x13: {  	s16 =	sshrl.u32 s16, $0x2  }
0x14: {  	s16 =	sadd.s32 $0x2000, s16  }
0x15: {  	v2 =	vld [tilespmem:s16+$0x200]  }
0x16: {  	v3 =	vld [tilespmem:s16+$0xFFFFE000]  }
0x17: {  	v6 =	vld [tilespmem:s16+$0x280]  }
0x18: {  	v4 =	vld [tilespmem:s16+$0xFFFFE200]  }
0x19: {  	v5 =	vld [tilespmem:s16+$0x0]  }
0x1a: {  	v9 =	vld [tilespmem:s16+$0x80]  }
0x1b: {  	v8 =	vimm.f32 $-Inf;
	v10 =	vld [tilespmem:s16+$0xFFFFE280]  }
0x1c: {  	v12 =	vld [tilespmem:s16+$0xFFFFE100];
	vm0 =	vgt.f32 v3, v8  }
0x1d: {  	v13 =	vld [tilespmem:s16+$0xFFFFE180];
	v7 =	vsel vm0, v3, v8  }
0x1e: {  	v11 =	vld [tilespmem:s16+$0xFFFFE080];
	vm1 =	vgt.f32 v4, v7  }
0x1f: {  	s25 =	simm.s32 $0x0;
	v14 =	vld [tilespmem:s16+$0xFFFFE300];
	v3 =	vimm.s32 $0x0;
	v4 =	vsel vm1, v4, v7  }
0x20: {  	s26 =	simm.s32 $0x4;
	v15 =	vld [tilespmem:s16+$0xFFFFE380];
	v7 =	vsel vm0, s25, v3;
	vm0 =	vgt.f32 v5, v4  }
0x21: {  	s28 =	simm.s32 $0x8;
	v16 =	vld [tilespmem:s16+$0x100];
	vm5 =	vgt.f32 v12, v8;
	v7 =	vsel vm1, s26, v7;
	v4 =	vsel vm0, v5, v4  }
0x22: {  	s29 =	simm.s32 $0xC;
	v17 =	vld [tilespmem:s16+$0x180];
	vm6 =	vgt.f32 v13, v8;
	v5 =	vsel vm0, s28, v7;
	vm0 =	vgt.f32 v2, v4  }
0x23: {  	v19 =	vld [tilespmem:s16+$0x300];
	v18 =	vsel vm0, v2, v4;
	v7 =	vsel vm0, s29, v5;
	vm0 =	vgt.f32 v11, v8  }
0x24: {  	s19 =	sadd.s32 $0x4000, s16;
	v4 =	vsel vm5, v12, v8;
	v12 =	vld [tilespmem:s16+$0x380];
	v2 =	vsel vm0, v11, v8;
	v8 =	vsel vm6, v13, v8  }
0x25: {  	vm7 =	vgt.f32 v14, v4;
	v13 =	vld [tilespmem:s19+$0xFFFFE000];
	vm1 =	vgt.f32 v10, v2;
	vm8 =	vgt.f32 v15, v8  }
0x26: {  	v20 =	vld [tilespmem:s19+$0xFFFFE200];
	v4 =	vsel vm7, v14, v4;
	v10 =	vsel vm1, v10, v2;
	v8 =	vsel vm8, v15, v8  }
0x27: {  	v5 =	vld [tilespmem:s19+$0x200];
	vm9 =	vgt.f32 v16, v4;
	vm2 =	vgt.f32 v9, v10;
	vm10 =	vgt.f32 v17, v8  }
0x28: {  	v14 =	vld [tilespmem:s19+$0x0];
	v11 =	vsel vm9, v16, v4;
	v9 =	vsel vm2, v9, v10;
	v8 =	vsel vm10, v17, v8  }
0x29: {  	v2 =	vld [tilespmem:s19+$0x280];
	vm11 =	vgt.f32 v19, v11;
	vm3 =	vgt.f32 v6, v9;
	vm12 =	vgt.f32 v12, v8  }
0x2a: {  	s30 =	simm.s32 $0x2;
	s18 =	simm.s32 $0x3;
	v15 =	vld [tilespmem:s19+$0xFFFFE100];
	v11 =	vsel vm11, v19, v11;
	vm4 =	vgt.f32 v13, v18;
	v10 =	vsel vm3, v6, v9  }
0x2b: {  	s31 =	simm.s32 $0x6;
	s20 =	simm.s32 $0x7;
	v4 =	vld [tilespmem:s19+$0x80];
	v12 =	vsel vm12, v12, v8;
	v6 =	vsel vm5, s30, v3;
	v8 =	vsel vm6, s18, v3  }
0x2c: {  	s21 =	simm.s32 $0xA;
	s22 =	simm.s32 $0xB;
	s24 =	simm.s32 $0xE;
	v16 =	vld [tilespmem:s19+$0xFFFFE180];
	v17 =	vsel vm4, v13, v18;
	v6 =	vsel vm7, s31, v6;
	v8 =	vsel vm8, s20, v8  }
0x2d: {  	s23 =	simm.s32 $0x1;
	s17 =	sshll.u32 s15, $0x4;
	v9 =	vld [tilespmem:s19+$0xFFFFE280];
	s20 =	simm.s32 $0xF;
	vm5 =	vgt.f32 v20, v17;
	v6 =	vsel vm9, s21, v6;
	v18 =	vsel vm10, s22, v8  }
0x2e: {  	v13 =	vld [tilespmem:s19+$0xFFFFE080];
	s18 =	simm.s32 $0x1F;
	s22 =	simm.s32 $0x10;
	v17 =	vsel vm5, v20, v17;
	s21 =	simm.s32 $0x2F;
	v8 =	vsel vm11, s24, v6;
	v6 =	vsel vm12, s20, v18  }
.LBB2_3:
0x2f: {  	p0 =	sne.s32 s21, $0x3F;
	v7 =	vsel vm4, s22, v7;
	s22 =	sadd.s32 $0xFFFFFFF5, s18;
	v18 =	vld [tilespmem:s19+$0xFFFFE300];
	vm4 =	vgt.f32 v14, v17;
	v3 =	vsel vm0, s23, v3;
	s23 =	sadd.s32 $0xFFFFFFF6, s20  }
0x30: {  	v7 =	vsel vm5, s22, v7;
	v19 =	vld [tilespmem:s19+$0xFFFFE380];
	s22 =	sadd.s32 $0xFFFFFFF9, s18;
	v14 =	vsel vm4, v14, v17;
	v3 =	vsel vm1, s23, v3;
	s23 =	sadd.s32 $0xFFFFFFFA, s20  }
0x31: {  	v7 =	vsel vm4, s22, v7;
	v17 =	vld [tilespmem:s19+$0x100];
	s22 =	sadd.s32 $0xFFFFFFFD, s18;
	vm0 =	vgt.f32 v5, v14;
	v3 =	vsel vm2, s23, v3;
	s23 =	sadd.s32 $0xFFFFFFFE, s20;
	s20 =	smov.u32 s18  }
0x32: {  	s18 =	smov.u32 s21;
	v20 =	vld [tilespmem:s19+$0x180];
	v21 =	vsel vm0, v5, v14;
	v7 =	vsel vm0, s22, v7;
	v3 =	vsel vm3, s23, v3  }
0x33: {  	vm0 =	vgt.f32 v13, v10;
	vm5 =	vgt.f32 v15, v11;
	vm6 =	vgt.f32 v16, v12;
	v22 =	vld [tilespmem:s19+$0x300]  }
0x34: {  	v10 =	vsel vm0, v13, v10;
	v11 =	vsel vm5, v15, v11;
	v12 =	vsel vm6, v16, v12;
	v13 =	vld [tilespmem:s19+$0x380];
	s19 =	sadd.s32 $0x4000, s19  }
0x35: {  	vm1 =	vgt.f32 v9, v10;
	vm7 =	vgt.f32 v18, v11;
	v5 =	vld [tilespmem:s19+$0x200];
	vm8 =	vgt.f32 v19, v12  }
0x36: {  	v9 =	vsel vm1, v9, v10;
	v10 =	vsel vm7, v18, v11;
	v15 =	vld [tilespmem:s19+$0xFFFFE000];
	v11 =	vsel vm8, v19, v12  }
0x37: {  	vm2 =	vgt.f32 v4, v9;
	vm9 =	vgt.f32 v17, v10;
	v16 =	vld [tilespmem:s19+$0x280];
	vm10 =	vgt.f32 v20, v11  }
0x38: {  	v9 =	vsel vm2, v4, v9;
	v12 =	vsel vm9, v17, v10;
	v18 =	vld [tilespmem:s19+$0xFFFFE200];
	v17 =	vsel vm10, v20, v11  }
0x39: {  	vm3 =	vgt.f32 v2, v9;
	vm11 =	vgt.f32 v22, v12;
	v14 =	vld [tilespmem:s19+$0x0];
	vm12 =	vgt.f32 v13, v17  }
.Ltmp0:
0x3a: {  	s22 =	sadd.s32 $0xFFFFFFF3, s20;
	s23 =	sadd.s32 $0xFFFFFFF4, s20;
	v10 =	vsel vm3, v2, v9;
	v11 =	vsel vm11, v22, v12;
	v4 =	vld [tilespmem:s19+$0x80];
	v12 =	vsel vm12, v13, v17;
	(pc) =	sbr.rel @p0 .LBB2_3-.Ltmp0, $4  }
0x3b: {  	v6 =	vsel vm6, s23, v6;
	s23 =	sadd.s32 $0xFFFFFFF8, s20;
	v19 =	vsel vm5, s22, v8;
	s22 =	sadd.s32 $0xFFFFFFF7, s20;
	vm4 =	vgt.f32 v15, v21;
	v9 =	vld [tilespmem:s19+$0xFFFFE280]  }
0x3c: {  	v6 =	vsel vm8, s23, v6;
	s23 =	sadd.s32 $0xFFFFFFFC, s20;
	v17 =	vsel vm7, s22, v19;
	s22 =	sadd.s32 $0xFFFFFFFB, s20;
	v8 =	vsel vm4, v15, v21;
	v13 =	vld [tilespmem:s19+$0xFFFFE080];
	v2 =	vmovc v16  }
0x3d: {  	s24 =	sadd.s32 $0xFFFFFFFF, s20;
	v6 =	vsel vm10, s23, v6;
	v19 =	vsel vm9, s22, v17;
	v15 =	vld [tilespmem:s19+$0xFFFFE100];
	vm5 =	vgt.f32 v18, v8  }
0x3e: {  	s21 =	sadd.s32 $0x10, s21;
	s23 =	sadd.s32 $0xFFFFFFF2, s20;
	v6 =	vsel vm12, s20, v6;
	s22 =	sadd.s32 $0xFFFFFFF1, s18;
	v16 =	vld [tilespmem:s19+$0xFFFFE180];
	v17 =	vsel vm5, v18, v8;
	v8 =	vsel vm11, s24, v19  }
0x3f: {  	v7 =	vsel vm4, s22, v7;
	s21 =	sadd.s32 $0xFFFFFFF5, s18;
	vm11 =	vgt.f32 v14, v17;
	v3 =	vsel vm0, s23, v3;
	s26 =	sadd.s32 $0xFFFFFFF6, s20  }
0x40: {  	s28 =	sadd.s32 $0xFFFFFFF9, s18;
	s29 =	sadd.s32 $0xFFFFFFFA, s20;
	v7 =	vsel vm5, s21, v7;
	v14 =	vsel vm11, v14, v17;
	v3 =	vsel vm1, s26, v3  }
0x41: {  	v18 =	vld [tilespmem:s19+$0xFFFFE300];
	s30 =	sadd.s32 $0xFFFFFFFD, s18;
	v7 =	vsel vm11, s28, v7;
	vm12 =	vgt.f32 v5, v14;
	v3 =	vsel vm2, s29, v3  }
0x42: {  	v19 =	vld [tilespmem:s19+$0xFFFFE380];
	s31 =	sadd.s32 $0xFFFFFFFE, s20;
	vm13 =	vgt.f32 v13, v10;
	v5 =	vsel vm12, v5, v14;
	v7 =	vsel vm12, s30, v7  }
0x43: {  	v3 =	vsel vm3, s31, v3;
	vm14 =	vgt.f32 v15, v11;
	v10 =	vsel vm13, v13, v10  }
0x44: {  	v57 =	vld [tilespmem:s19+$0x100];
	s20 =	sadd.s32 $0xFFFFFFF2, s18;
	s24 =	sadd.s32 $0xFFFFFFF3, s18;
	vm0 =	vgt.f32 v16, v12;
	v11 =	vsel vm14, v15, v11;
	vm15 =	vgt.f32 v9, v10  }
0x45: {  	v20 =	vld [tilespmem:s19+$0x180];
	s21 =	sadd.s32 $0xFFFFFFF6, s18;
	v3 =	vsel vm13, s20, v3;
	v8 =	vsel vm14, s24, v8;
	v12 =	vsel vm0, v16, v12  }
0x46: {  	s26 =	sadd.s32 $0xFFFFFFF4, s18;
	vm6 =	vgt.f32 v18, v11;
	v9 =	vsel vm15, v9, v10;
	v3 =	vsel vm15, s21, v3  }
0x47: {  	s25 =	sadd.s32 $0xFFFFFFF7, s18;
	v6 =	vsel vm0, s26, v6;
	vm1 =	vgt.f32 v19, v12;
	v60 =	vsel vm6, v18, v11  }
0x48: {  	v58 =	vld [tilespmem:s19+$0x300];
	s22 =	sadd.s32 $0xFFFFFFFA, s18;
	vm7 =	vgt.f32 v4, v9;
	v8 =	vsel vm6, s25, v8;
	v61 =	vsel vm1, v19, v12  }
0x49: {  	v59 =	vld [tilespmem:s19+$0x380];
	vm8 =	vgt.f32 v57, v60;
	v4 =	vsel vm7, v4, v9;
	v3 =	vsel vm7, s22, v3  }
0x4a: {  	s23 =	sadd.s32 $0xFFFFFFFE, s18;
	s28 =	sadd.s32 $0xFFFFFFFB, s18;
	vm2 =	vgt.f32 v20, v61;
	v62 =	vsel vm8, v57, v60;
	vm12 =	vgt.f32 v2, v4  }
0x4b: {  	v8 =	vsel vm8, s28, v8;
	v2 =	vsel vm12, v2, v4;
	v3 =	vsel vm12, s23, v3  }
0x4c: {  	v63 =	vsel vm2, v20, v61;
	vm14 =	veq.f32 v2, v5;
	vm4 =	vlt.s32 v3, v7  }
0x4d: {  	vm13 =	vgt.f32 v58, v62;
	vm15 =	vgt.f32 v2, v5;
	vm3 =	vmand vm14, vm4  }
0x4e: {  	s29 =	sadd.s32 $0xFFFFFFFF, s18;
	vm9 =	vgt.f32 v59, v63;
	v4 =	vsel vm13, v58, v62;
	vm8 =	vmor vm15, vm3  }
0x4f: {  	s30 =	sadd.s32 $0xFFFFFFF8, s18;
	v8 =	vsel vm13, s29, v8;
	v2 =	vsel vm8, v2, v5;
	v3 =	vsel vm8, v3, v7  }
0x50: {  	v5 =	vsel vm1, s30, v6;
	vm10 =	veq.f32 v4, v2;
	vm11 =	vlt.s32 v8, v3  }
0x51: {  	s31 =	sadd.s32 $0xFFFFFFFC, s18;
	v6 =	vsel vm9, v59, v63;
	vm12 =	vgt.f32 v4, v2;
	vm0 =	vmand vm10, vm11  }
0x52: {  	v7 =	vmov s17;
	v5 =	vsel vm2, s31, v5;
	vm0 =	vmor vm12, vm0  }
0x53: {  	v5 =	vsel vm9, s18, v5;
	v4 =	vsel vm0, v4, v2;
	v8 =	vsel vm0, v8, v3  }
0x54: {  	v2 =	vor.u32 s17, v0;
	vm13 =	veq.f32 v6, v4;
	vm14 =	vlt.s32 v5, v8  }
0x55: {  	v3 =	vshll.u32 v7, $0x3;
	vm15 =	vgt.f32 v6, v4;
	vm0 =	vmand vm13, vm14  }
0x56: {  	v2 =	vand.u32 $0x7F, v2;
	v3 =	vand.u32 $0x1C00, v3;
	vm0 =	vmor vm15, vm0  }
0x57: {  	s17 =	simm.s32 $0x0;
	v6 =	vsel vm0, v6, v4;
	v5 =	vsel vm0, v5, v8;
	v4 =	vor.u32 v2, v3  }
.LBB2_5:
0x58: {  	v7 =	vshll.u32 v5, $0xA;
	v8 =	vshll.u32 v5, $0x7  }
0x59: {  	v7 =	vand.u32 $0xFFFFE000, v7;
	v8 =	vand.u32 $0x380, v8  }
0x5a: {  	v7 =	vor.u32 v7, v8  }
0x5b: {  	v7 =	vor.u32 v4, v7;
	_ =	sdelay $0x3  }
0x5c: {  	v15 =	vimm.f32 $-Inf  }
0x5d: {  	[tilespmem:v7+s2+$0x0] =	vst.idx.msk $0xffff, v15  }
0x5e: {  	v12 =	vld [tilespmem:s16+$0xFFFFE000]  }
0x5f: {  	v7 =	vld [tilespmem:s16+$0x200]  }
0x60: {  	v13 =	vld [tilespmem:s16+$0x0]  }
0x61: {  	v16 =	vld [tilespmem:s16+$0xFFFFE200]  }
0x62: {  	v18 =	vld [tilespmem:s16+$0xFFFFE300]  }
0x63: {  	v22 =	vld [tilespmem:s16+$0x100]  }
0x64: {  	v9 =	vld [tilespmem:s16+$0x300]  }
0x65: {  	v17 =	vld [tilespmem:s16+$0xFFFFE280]  }
0x66: {  	vm0 =	vge.f32 v6, $0.0e+00;
	v14 =	vimm.f32 $0.0e+00;
	v19 =	vimm.s32 $0x0;
	v27 =	vld [tilespmem:s16+$0xFFFFE080]  }
0x67: {  	v8 =	vsel vm0, $0x3F7AE148, v1;
	v30 =	vld [tilespmem:s16+$0xFFFFE180];
	v10 =	vsub.f32 v12, v6;
	v21 =	vsub.f32 v7, v6  }
0x68: {  	v8 =	vmul.f32 v8, v6;
	v33 =	vld [tilespmem:s16+$0x80];
	v24 =	vsub.f32 v13, v6;
	v25 =	vsub.f32 v16, v6  }
0x69: {  	vm0 =	vgt.f32 v12, v15;
	v26 =	vsub.f32 v18, v6;
	v28 =	vsub.f32 v22, v6  }
0x6a: {  	v29 =	vsub.f32 v9, v6;
	v31 =	vsub.f32 v17, v6;
	vm5 =	vge.f32 v12, v8  }
0x6b: {  	v36 =	vsub.f32 v27, v6;
	vm4 =	vge.f32 v16, v8;
	vm6 =	vge.f32 v13, v8  }
0x6c: {  	vm7 =	vge.f32 v9, v8;
	vm12 =	vge.f32 v7, v8;
	v10 =	vmul.f32 $1.442695020e+00, v10  }
0x6d: {  	s18 =	simm.s32 $0x0;
	vm8 =	vge.f32 v30, v8;
	vm14 =	vge.f32 v27, v8;
	vm9 =	vge.f32 v33, v8  }
0x6e: {  	vm15 =	vge.f32 v22, v8;
	v20 =	vsel vm0, s18, v19;
	(erf) = vpow2.f32 v10  }
0x6f: {  	v23 =	vsel vm0, v12, v15;
	v21 =	vmul.f32 $1.442695020e+00, v21;
	v25 =	vmul.f32 $1.442695020e+00, v25  }
0x70: {  	vm0 =	vge.f32 v18, v8;
	v26 =	vmul.f32 $1.442695020e+00, v26;
	v28 =	vmul.f32 $1.442695020e+00, v28;
	v10 =	vld [tilespmem:s16+$0x380]  }
0x71: {  	s21 =	simm.s32 $0x4;
	v11 =	vld [tilespmem:s16+$0x280];
	vm1 =	vgt.f32 v16, v23;
	(erf) = vpow2.f32 v21;
	v21 =	vmul.f32 $1.442695020e+00, v24  }
0x72: {  	v35 =	vld [tilespmem:s16+$0x180];
	v36 =	vmul.f32 $1.442695020e+00, v36;
	v20 =	vsel vm1, s21, v20;
	v23 =	vsel vm1, v16, v23  }
0x73: {  	s22 =	simm.s32 $0x8;
	s23 =	simm.s32 $0x1;
	vm1 =	vgt.f32 v27, v15;
	vm3 =	vgt.f32 v13, v23;
	(erf) = vpow2.f32 v21  }
0x74: {  	v16 =	vsub.f32 v30, v6;
	v34 =	vsel vm1, s23, v19;
	v32 =	vsel vm3, s22, v20  }
0x75: {  	v20 =	vmul.f32 $1.442695020e+00, v29;
	v29 =	vmul.f32 $1.442695020e+00, v31;
	v31 =	vld [tilespmem:s16+$0xFFFFE100];
	v21 =	vsub.f32 v10, v6  }
0x76: {  	v24 =	vsub.f32 v11, v6;
	v12 =	vsel vm3, v13, v23;
	v16 =	vmul.f32 $1.442695020e+00, v16  }
0x77: {  	vm3 =	vge.f32 v35, v8;
	v21 =	vmul.f32 $1.442695020e+00, v21;
	v23 =	vpop (erf);
	(erf) = vpow2.f32 v28;
	v28 =	vld [tilespmem:s16+$0xFFFFE380]  }
0x78: {  	vm2 =	vge.f32 v10, v8;
	v23 =	vnsel vm5, $0x0, v23;
	(erf) = vpow2.f32 v26  }
0x79: {  	v26 =	vadd.f32 v23, v14;
	v23 =	vsub.f32 v33, v6;
	(erf) = vpow2.f32 v25  }
0x7a: {  	s24 =	simm.s32 $0x2;
	vm5 =	vgt.f32 v31, v15;
	v25 =	vsub.f32 v35, v6;
	(erf) = vpow2.f32 v20  }
0x7b: {  	v20 =	vsel vm5, s24, v19;
	v23 =	vmul.f32 $1.442695020e+00, v23;
	(erf) = vpow2.f32 v21;
	v21 =	vpop (erf)  }
0x7c: {  	v25 =	vmul.f32 $1.442695020e+00, v25;
	v37 =	vsub.f32 v28, v6;
	(erf) = vpow2.f32 v29;
	v13 =	vpop (erf)  }
0x7d: {  	v29 =	vsub.f32 v31, v6;
	(erf) = vpow2.f32 v23;
	v38 =	vnsel vm6, $0x0, v13  }
0x7e: {  	v23 =	vmul.f32 $1.442695020e+00, v24;
	v13 =	vnsel vm12, $0x0, v21;
	(erf) = vpow2.f32 v16  }
0x7f: {  	s26 =	simm.s32 $0x3;
	v24 =	vmul.f32 $1.442695020e+00, v29;
	v16 =	vsel vm5, v31, v15;
	vm5 =	vgt.f32 v30, v15  }
0x80: {  	(erf) = vpow2.f32 v36;
	vm13 =	vgt.f32 v18, v16;
	v19 =	vsel vm5, s26, v19  }
0x81: {  	v30 =	vsel vm5, v30, v15;
	vm5 =	vge.f32 v17, v8;
	v15 =	vsel vm1, v27, v15;
	v29 =	vpop (erf)  }
0x82: {  	s29 =	simm.s32 $0x7;
	(erf) = vpow2.f32 v23;
	v18 =	vsel vm13, v18, v16;
	vm10 =	vgt.f32 v28, v30;
	v60 =	vpop (erf)  }
0x83: {  	s25 =	simm.s32 $0x6;
	(erf) = vpow2.f32 v25;
	vm6 =	vgt.f32 v22, v18;
	v19 =	vsel vm10, s29, v19;
	v21 =	vpop (erf)  }
0x84: {  	(erf) = vpow2.f32 v24;
	v39 =	vnsel vm4, $0x0, v21;
	v21 =	vsel vm13, s25, v20  }
0x85: {  	s28 =	simm.s32 $0xA;
	vm4 =	vge.f32 v31, v8;
	v31 =	vmul.f32 $1.442695020e+00, v37;
	v16 =	vpop (erf);
	v20 =	vsel vm6, v22, v18  }
0x86: {  	v16 =	vnsel vm7, $0x0, v16;
	v23 =	vpop (erf);
	v21 =	vsel vm6, s28, v21;
	v39 =	vadd.f32 v39, v26  }
0x87: {  	vm1 =	vgt.f32 v9, v20;
	v24 =	vpop (erf);
	v23 =	vnsel vm2, $0x0, v23;
	(erf) = vpow2.f32 v31  }
0x88: {  	vm2 =	vgt.f32 v17, v15;
	v18 =	vpop (erf);
	v61 =	vnsel vm5, $0x0, v24;
	v24 =	vnsel vm0, $0x0, v60  }
0x89: {  	s30 =	simm.s32 $0x5;
	vm5 =	vge.f32 v28, v8;
	vm0 =	vge.f32 v11, v8;
	v28 =	vsel vm10, v28, v30;
	v25 =	vpop (erf)  }
0x8a: {  	v15 =	vsel vm2, v17, v15;
	v30 =	vsel vm2, s30, v34;
	v18 =	vnsel vm9, $0x0, v18;
	v22 =	vpop (erf)  }
0x8b: {  	vm2 =	vgt.f32 v33, v15;
	v25 =	vnsel vm8, $0x0, v25;
	v40 =	vpop (erf);
	v22 =	vnsel vm14, $0x0, v22  }
0x8c: {  	v25 =	vadd.f32 v25, v14;
	v26 =	vpop (erf);
	v62 =	vadd.f32 v22, v14;
	v22 =	vnsel vm15, $0x0, v29  }
0x8d: {  	v31 =	vnsel vm3, $0x0, v26;
	v26 =	vnsel vm0, $0x0, v40;
	vm0 =	vgt.f32 v7, v12;
	v27 =	vpop (erf)  }
0x8e: {  	s31 =	simm.s32 $0xB;
	s19 =	simm.s32 $0xC;
	vm3 =	vgt.f32 v35, v28;
	v63 =	vnsel vm4, $0x0, v27;
	v27 =	vadd.f32 v61, v62  }
0x8f: {  	v29 =	vadd.f32 v38, v39;
	v17 =	vsel vm3, s31, v19;
	v19 =	vsel vm0, s19, v32  }
0x90: {  	s20 =	sadd.s32 $0x4000, s16;
	s18 =	simm.s32 $0xF;
	v32 =	vsel vm2, v33, v15;
	v27 =	vadd.f32 v18, v27;
	v18 =	vsel vm3, v35, v28;
	v15 =	vpop (erf)  }
0x91: {  	s21 =	simm.s32 $0x9;
	s22 =	simm.s32 $0xD;
	s19 =	simm.s32 $0x1F;
	v28 =	vadd.f32 v63, v14;
	vm3 =	vgt.f32 v11, v32;
	v15 =	vnsel vm5, $0x0, v15  }
.LBB2_6:
0x92: {  	v33 =	vld [tilespmem:s20+$0xFFFFE000];
	p0 =	sne.s32 s19, $0x3F;
	v30 =	vsel vm2, s21, v30;
	v14 =	vsel vm3, v11, v32;
	vm2 =	vgt.f32 v10, v18;
	s21 =	smov.u32 s19;
	s19 =	sadd.s32 $0x10, s19  }
0x93: {  	v11 =	vld [tilespmem:s20+$0x200];
	v28 =	vadd.f32 v24, v28;
	v30 =	vsel vm3, s22, v30;
	v24 =	vsel vm2, s18, v17  }
0x94: {  	v15 =	vadd.f32 v15, v25;
	v34 =	vsel vm1, v9, v20;
	s22 =	sadd.s32 $0xFFFFFFFF, s18;
	v20 =	vsel vm2, v10, v18;
	s18 =	smov.u32 s21;
	v32 =	vld [tilespmem:s20+$0x0]  }
0x95: {  	v13 =	vadd.f32 v13, v29;
	v36 =	vsel vm1, s22, v21;
	v35 =	vld [tilespmem:s20+$0xFFFFE200];
	v9 =	vadd.f32 v22, v28  }
0x96: {  	v12 =	vsel vm0, v7, v12;
	v17 =	vadd.f32 v26, v27;
	v10 =	vadd.f32 v31, v15;
	v21 =	vld [tilespmem:s20+$0xFFFFE300]  }
0x97: {  	s21 =	sadd.s32 $0xFFFFFFF1, s18;
	v18 =	vsub.f32 v33, v6;
	vm0 =	vgt.f32 v33, v12;
	v25 =	vld [tilespmem:s20+$0x100];
	v15 =	vadd.f32 v16, v9  }
0x98: {  	v26 =	vadd.f32 v23, v10;
	v16 =	vsel vm0, s21, v19;
	v22 =	vsub.f32 v11, v6;
	v9 =	vld [tilespmem:s20+$0x300];
	v7 =	vmovc v11  }
0x99: {  	v12 =	vsel vm0, v33, v12;
	v10 =	vmul.f32 $1.442695020e+00, v18;
	v23 =	vsub.f32 v32, v6;
	v11 =	vld [tilespmem:s20+$0x280]  }
0x9a: {  	s21 =	sadd.s32 $0xFFFFFFF5, s18;
	v18 =	vsub.f32 v35, v6;
	vm1 =	vgt.f32 v35, v12;
	v19 =	vld [tilespmem:s20+$0xFFFFE280];
	v27 =	vmul.f32 $1.442695020e+00, v22  }
0x9b: {  	v22 =	vld [tilespmem:s20+$0xFFFFE080];
	v16 =	vsel vm1, s21, v16;
	v28 =	vsub.f32 v21, v6;
	(erf) = vpow2.f32 v10  }
0x9c: {  	vm0 =	vge.f32 v21, v8;
	v31 =	vmul.f32 $1.442695020e+00, v18;
	v18 =	vld [tilespmem:s20+$0x80];
	v37 =	vsub.f32 v25, v6  }
0x9d: {  	v12 =	vsel vm1, v35, v12;
	v38 =	vmul.f32 $1.442695020e+00, v28;
	v10 =	vld [tilespmem:s20+$0x380];
	(erf) = vpow2.f32 v27  }
0x9e: {  	s21 =	sadd.s32 $0xFFFFFFF9, s18;
	v23 =	vmul.f32 $1.442695020e+00, v23;
	v28 =	vsub.f32 v9, v6;
	v39 =	vld [tilespmem:s20+$0xFFFFE180];
	v40 =	vsub.f32 v11, v6  }
0x9f: {  	vm3 =	vgt.f32 v32, v12;
	v37 =	vmul.f32 $1.442695020e+00, v37;
	v41 =	vsub.f32 v19, v6;
	v29 =	vld [tilespmem:s20+$0xFFFFE380]  }
0xa0: {  	v27 =	vsel vm3, s21, v16;
	v16 =	vmul.f32 $1.442695020e+00, v28;
	vm1 =	vgt.f32 v22, v14  }
0xa1: {  	vm5 =	vge.f32 v33, v8;
	s21 =	sadd.s32 $0xFFFFFFF2, s18;
	v33 =	vld [tilespmem:s20+$0xFFFFE100];
	v41 =	vmul.f32 $1.442695020e+00, v41;
	(erf) = vpow2.f32 v23  }
0xa2: {  	v30 =	vsel vm1, s21, v30;
	v28 =	vld [tilespmem:s20+$0x180];
	v23 =	vsub.f32 v10, v6;
	vm2 =	vge.f32 v10, v8  }
0xa3: {  	vm4 =	vge.f32 v35, v8;
	v12 =	vsel vm3, v32, v12;
	v42 =	vsub.f32 v22, v6  }
0xa4: {  	v35 =	vsub.f32 v39, v6;
	v23 =	vmul.f32 $1.442695020e+00, v23;
	v43 =	vpop (erf);
	(erf) = vpow2.f32 v37  }
0xa5: {  	v42 =	vmul.f32 $1.442695020e+00, v42;
	v37 =	vnsel vm5, $0x0, v43;
	(erf) = vpow2.f32 v38  }
0xa6: {  	v37 =	vadd.f32 v37, v13;
	v13 =	vsub.f32 v18, v6;
	(erf) = vpow2.f32 v31;
	v31 =	vpop (erf)  }
0xa7: {  	v35 =	vmul.f32 $1.442695020e+00, v35;
	v38 =	vsub.f32 v28, v6;
	vm3 =	vge.f32 v28, v8  }
0xa8: {  	s21 =	sadd.s32 $0xFFFFFFF3, s18;
	vm6 =	vgt.f32 v33, v34;
	v13 =	vmul.f32 $1.442695020e+00, v13;
	(erf) = vpow2.f32 v16  }
0xa9: {  	v16 =	vsel vm6, s21, v36;
	v36 =	vmul.f32 $1.442695020e+00, v38;
	(erf) = vpow2.f32 v23  }
0xaa: {  	vm7 =	vge.f32 v32, v8;
	v23 =	vsub.f32 v29, v6;
	(erf) = vpow2.f32 v41;
	v32 =	vpop (erf)  }
0xab: {  	vm5 =	vge.f32 v9, v8;
	v41 =	vsub.f32 v33, v6;
	(erf) = vpow2.f32 v13  }
0xac: {  	v43 =	vmul.f32 $1.442695020e+00, v40;
	v32 =	vnsel vm7, $0x0, v32;
	(erf) = vpow2.f32 v35  }
0xad: {  	vm7 =	vge.f32 v7, v8;
	v35 =	vmul.f32 $1.442695020e+00, v41;
	(erf) = vpow2.f32 v42;
	v38 =	vpop (erf)  }
0xae: {  	v34 =	vsel vm6, v33, v34;
	v13 =	vnsel vm7, $0x0, v31;
	v31 =	vpop (erf);
	(erf) = vpow2.f32 v43  }
0xaf: {  	vm6 =	vgt.f32 v39, v20;
	s21 =	sadd.s32 $0xFFFFFFF7, s18;
	vm7 =	vgt.f32 v21, v34;
	v40 =	vpop (erf);
	(erf) = vpow2.f32 v36  }
0xb0: {  	vm8 =	vge.f32 v39, v8;
	v36 =	vnsel vm4, $0x0, v40;
	v40 =	vsel vm7, s21, v16  }
0xb1: {  	v21 =	vsel vm7, v21, v34;
	vm4 =	vge.f32 v33, v8;
	s21 =	sadd.s32 $0xFFFFFFF4, s18;
	v33 =	vmul.f32 $1.442695020e+00, v23;
	v16 =	vpop (erf)  }
0xb2: {  	vm7 =	vgt.f32 v25, v21;
	v24 =	vsel vm6, s21, v24;
	v16 =	vnsel vm5, $0x0, v16;
	v23 =	vpop (erf)  }
0xb3: {  	v34 =	vsel vm6, v39, v20;
	vm5 =	vge.f32 v22, v8;
	(erf) = vpow2.f32 v35;
	v35 =	vpop (erf)  }
0xb4: {  	vm9 =	vge.f32 v19, v8;
	vm10 =	vge.f32 v18, v8;
	s21 =	sadd.s32 $0xFFFFFFFB, s18;
	v20 =	vsel vm7, v25, v21;
	v21 =	vpop (erf)  }
0xb5: {  	vm6 =	vgt.f32 v29, v34;
	v39 =	vnsel vm10, $0x0, v21;
	v21 =	vsel vm7, s21, v40;
	v40 =	vpop (erf)  }
0xb6: {  	v23 =	vnsel vm2, $0x0, v23;
	vm7 =	vge.f32 v25, v8;
	v42 =	vnsel vm8, $0x0, v40;
	v41 =	vpop (erf)  }
0xb7: {  	v35 =	vnsel vm9, $0x0, v35;
	s21 =	sadd.s32 $0xFFFFFFF8, s18;
	v25 =	vadd.f32 v42, v26;
	(erf) = vpow2.f32 v33;
	v26 =	vpop (erf)  }
0xb8: {  	v36 =	vadd.f32 v36, v37;
	v37 =	vsel vm6, s21, v24;
	v33 =	vnsel vm5, $0x0, v41;
	v40 =	vpop (erf)  }
0xb9: {  	v24 =	vnsel vm0, $0x0, v31;
	vm0 =	vge.f32 v11, v8;
	vm5 =	vge.f32 v29, v8  }
0xba: {  	v17 =	vadd.f32 v33, v17;
	v26 =	vnsel vm0, $0x0, v26;
	v31 =	vnsel vm3, $0x0, v40  }
0xbb: {  	v14 =	vsel vm1, v22, v14;
	v22 =	vnsel vm7, $0x0, v38;
	vm0 =	vgt.f32 v7, v12  }
0xbc: {  	vm1 =	vgt.f32 v9, v20;
	v33 =	vsel vm6, v29, v34;
	v29 =	vadd.f32 v32, v36;
	v32 =	vpop (erf)  }
.Ltmp1:
0xbd: {  	vm2 =	vgt.f32 v19, v14;
	s21 =	sadd.s32 $0xFFFFFFF6, s18;
	vm3 =	vgt.f32 v28, v33;
	v34 =	vnsel vm4, $0x0, v32;
	(pc) =	sbr.rel @p0 .LBB2_6-.Ltmp1, $4  }
0xbe: {  	s22 =	sadd.s32 $0xFFFFFFFD, s18;
	v30 =	vsel vm2, s21, v30;
	s21 =	sadd.s32 $0xFFFFFFFC, s18;
	v32 =	vadd.f32 v35, v17;
	v35 =	vsel vm2, v19, v14  }
0xbf: {  	v17 =	vsel vm3, s21, v37;
	v19 =	vsel vm0, s22, v27;
	vm2 =	vgt.f32 v18, v35  }
0xc0: {  	s21 =	sadd.s32 $0xFFFFFFFA, s18;
	v27 =	vadd.f32 v39, v32;
	v32 =	vsel vm2, v18, v35;
	v18 =	vsel vm3, v28, v33;
	v14 =	vpop (erf)  }
0xc1: {  	s20 =	sadd.s32 $0x4000, s20;
	s22 =	sadd.s32 $0xFFFFFFFE, s18;
	v28 =	vadd.f32 v34, v15;
	vm3 =	vgt.f32 v11, v32;
	v15 =	vnsel vm5, $0x0, v14  }
0xc2: {  	_ = 	snop  }
0xc3: {  	v8 =	vadd.f32 v15, v25;
	v6 =	vadd.f32 v24, v28;
	_ =	sdelay $0x1  }
0xc4: {  	v8 =	vadd.f32 v31, v8;
	v6 =	vadd.f32 v22, v6  }
0xc5: {  	v13 =	vadd.f32 v13, v29;
	v14 =	vadd.f32 v26, v27  }
0xc6: {  	v8 =	vadd.f32 v23, v8;
	v6 =	vadd.f32 v16, v6;
	_ =	sdelay $0x1  }
0xc7: {  	v13 =	vadd.f32 v14, v13;
	v6 =	vadd.f32 v8, v6  }
0xc8: {  	v11 =	vsel vm3, v11, v32;
	v7 =	vsel vm0, v7, v12  }
0xc9: {  	s19 =	sadd.s32 $0xFFFFFFFF, s18;
	v9 =	vsel vm1, v9, v20;
	v8 =	vsel vm2, s21, v30;
	v6 =	vadd.f32 v6, v13  }
0xca: {  	v60 =	vmov s17;
	v59 =	vsel vm1, s19, v21;
	v8 =	vsel vm3, s22, v8  }
0xcb: {  	vm0 =	veq.f32 v11, v7;
	vm8 =	vlt.s32 v8, v19;
	v6 =	vadd.f32 $1.000000000e+00, v6  }
0xcc: {  	vm9 =	vgt.f32 v11, v7;
	v13 =	vshll.u32 v60, $0x7;
	vm0 =	vmand vm0, vm8  }
0xcd: {  	vm0 =	vmor vm9, vm0;
	(erf) = vrcp.f32 v6;
	v6 =	vand.u32 $0x380, v13  }
0xce: {  	v7 =	vsel vm0, v11, v7;
	v8 =	vsel vm0, v8, v19;
	v6 =	vor.u32 v3, v6  }
0xcf: {  	vm10 =	veq.f32 v9, v7;
	vm11 =	vlt.s32 v59, v8;
	v6 =	vbroadcast v6, $0x0  }
0xd0: {  	vm12 =	vgt.f32 v10, v18;
	vm13 =	vgt.f32 v9, v7;
	vm0 =	vmand vm10, vm11  }
0xd1: {  	s17 =	sadd.s32 $0x1, s17;
	v61 =	vsel vm12, s18, v17;
	vm0 =	vmor vm13, vm0;
	v62 =	vor.u32 v2, v6  }
0xd2: {  	p0 =	sne.s32 s17, $0x8;
	v7 =	vsel vm0, v9, v7;
	v8 =	vsel vm0, v59, v8;
	v6 =	vsel vm12, v10, v18  }
.Ltmp2:
0xd3: {  	vm15 =	vlt.s32 v61, v8;
	vm14 =	veq.f32 v6, v7;
	(pc) =	sbr.rel @p0 .LBB2_5-.Ltmp2, $4  }
0xd4: {  	vm2 =	vgt.f32 v6, v7;
	vm0 =	vmand vm14, vm15  }
0xd5: {  	vm0 =	vmor vm2, vm0  }
0xd6: {  	v8 =	vsel vm0, v61, v8;
	v63 =	vpop (erf);
	[tilespmem:v62+s10+$0x0] =	vst.idx.msk $0xffff, v5  }
0xd7: {  	v6 =	vsel vm0, v6, v7;
	v5 =	vmov v8;
	[tilespmem:v62+s11+$0x0] =	vst.idx.msk $0xffff, v63  }
0xd8: {  	s15 =	sadd.s32 $0x1, s15  }
0xd9: {  	p0 =	sne.s32 s15, $0x40  }
.Ltmp3:
0xda: {  	_ = 	snop;
	(pc) =	sbr.rel @p0 .LBB2_2-.Ltmp3, $2  }
0xdb: {  	_ =	sdelay $0x2  }
0xdc: {  	s14 =	sadd.s32 $0x80, s14;
	s13 =	sadd.s32 $0x1, s13  }
0xdd: {  	[hbm4b:s4+s2] =	stream.linear.scatter [tilespmem:s10], [sflag:$0x1], $0x2000, $0x38;
	[tilespmem:$0x14000] =	vst v63  }
0xde: {  	s12 =	sadd.s32 $0x1, s12;
	_ =	swait.ge [sflag:s9], $0x2000  }
0xdf: {  	p0 =	sne.s32 s12, s6;
	[sflag:s9] =	ssyncset.done $0x0  }
.Ltmp4:
0xe0: {  	[sflag:s9] =	ssyncadd.s32 $0xFFFFE000;
	(pc) =	sbr.rel @p0 .LBB2_1-.Ltmp4, $4  }
0xe1: {  	[hbm4b:s5+s2] =	stream.linear.scatter [tilespmem:s11], [sflag:$0x1], $0x2000, $0x38;
	[tilespmem:$0x14000] =	vst v63  }
0xe2: {  	_ =	swait.ge [sflag:s9], $0x2000  }
0xe3: {  	[sflag:s9] =	ssyncset.done $0x0  }
0xe4: {  	[sflag:s9] =	ssyncadd.s32 $0xFFFFE000  }
0xe5: {  	_ =	sfence.sel $0x180000  }
0xe6: {  	[bflag:$0x0] =	sbarrier.arrive $0xFFFF  }
0xe7: {  	p0 =	sne.s32 s1, $0x0;
	_ =	strace $0x90000047  }
0xe8: {  	s0 =	sadd.s32 @!p0 $0x100000, s0;
	[bflag:$0x2] =	sbarrier.arrive $0xFFFF  }
0xe9: {  	[sflag:s0] =	ssyncadd.tile.s32 @!p0 $0x1;
	_ =	shalt  }
.Lfunc_end2:
_tile_overlayer_lowered:
.L_overlay_start_2:
0xea: {  	(tag) =	ssettag $0x2  }
0xeb: {  	s0 =	rddreg [dreg:$0x0];
	s2 =	stileid.u32  }
0xec: {  	s1 =	rddreg [dreg:$0x1];
	p0 =	sne.s32 s2, $0x0  }
0xed: {  	s3 =	rddreg [dreg:$0x2];
	[bflag:$0x3] =	sbarrier.arrive $0xFFFF;
	s2 =	simm.s32 @!p0 $0x1C01  }
0xee: {  	[timem:s3], [sflag:s2] =	dma.local @!p0 [hbm:s0], s1  }
0xef: {  	s0 =	simm.s32 @!p0 $0x1  }
0xf0: {  	_ =	swait.ge @!p0 [sflag:s0], s1  }
0xf1: {  	s1 =	ssub.s32 @!p0 $0x0, s1;
	[sflag:s0] =	ssyncset.done @!p0 $0x0  }
0xf2: {  	[sflag:s0] =	ssyncadd.s32 @!p0 s1  }
0xf3: {  	[bflag:$0x3] =	sbarrier.arrive $0xFFFF  }
0xf4: {  	_ =	shalt  }

</sc_bundles>
